<compile_context>
chip_gen: v7x
topology: tpu7x:2x2x1
jax: 0.10.2.dev20260603
libtpu: 0.0.44.dev20260713+nightly
codegen_flags: <defaults>
</compile_context>

<pallas_src>
import functools

import jax
import jax.numpy as jnp
from jax import lax
from jax.experimental import pallas as pl
from jax.experimental.pallas import tpu as pltpu
from jax.experimental.pallas import tpu_sc as plsc

VOCAB = 256
EMBED = 512

NUM_CORES = 2
NUM_SUBCORES = 16
NW = NUM_CORES * NUM_SUBCORES

B_TOTAL = 4 * 8192
NCOLG = 2
COLS = EMBED // NCOLG
NROWG = NW // NCOLG
ROWS = B_TOTAL // NROWG
CHUNK = 64
NCHUNK = ROWS // CHUNK
NBUF = 2
LANES = 16


def _make_gather():
    mesh = plsc.VectorSubcoreMesh(core_axis_name="c", subcore_axis_name="s")

    @functools.partial(
        pl.kernel,
        mesh=mesh,
        compiler_params=pltpu.CompilerParams(
            needs_layout_passes=False, disable_bounds_checks=True),
        out_type=jax.ShapeDtypeStruct((B_TOTAL, EMBED), jnp.float32),
        scratch_types=[
            pltpu.VMEM((ROWS // 2 * LANES,), jnp.int32),
            pltpu.VMEM((VOCAB * COLS,), jnp.float32),
            [pltpu.VMEM((CHUNK, COLS), jnp.float32) for _ in range(NBUF)],
            pltpu.SemaphoreType.DMA,
            pltpu.SemaphoreType.DMA,
        ],
    )
    def gather_kernel(idxb_hbm, table_hbm, out_hbm, idx_b, table_v, bufs,
                      sem_t, sem_w):
        wid = lax.axis_index("s") * NUM_CORES + lax.axis_index("c")
        rowg = wid // NCOLG
        colg = wid % NCOLG
        row_base = rowg * ROWS

        pltpu.async_copy(
            table_hbm.at[pl.ds(colg * (VOCAB * COLS), VOCAB * COLS)],
            table_v, sem_t)
        pltpu.sync_copy(
            idxb_hbm.at[pl.ds(row_base * LANES, ROWS // 2 * LANES)], idx_b)
        pltpu.make_async_copy(
            table_hbm.at[pl.ds(colg * (VOCAB * COLS), VOCAB * COLS)],
            table_v, sem_t).wait()

        iota16 = lax.iota(jnp.int32, LANES)

        def fill(j, buf):
            @plsc.parallel_loop(0, CHUNK, step=1, unroll=8)
            def rowfn(r):
                row_off = idx_b[
                    pl.ds(((j % (NCHUNK // 2)) * CHUNK + r) * LANES, LANES)]

                @plsc.parallel_loop(0, COLS // LANES, step=1, unroll=16,
                                    carry=iota16)
                def colfn(k, colv):
                    vals = plsc.load_gather(table_v, [row_off + colv])
                    buf[r, pl.ds(k * LANES, LANES)] = vals
                    return colv + LANES

        def write(j, buf):
            return pltpu.async_copy(
                buf,
                out_hbm.at[pl.ds(row_base + j * CHUNK, CHUNK),
                           pl.ds(colg * COLS, COLS)],
                sem_w)

        def wait_write(buf):
            pltpu.make_async_copy(
                buf,
                out_hbm.at[pl.ds(row_base, CHUNK),
                           pl.ds(colg * COLS, COLS)],
                sem_w).wait()

        for j in range(NBUF):
            fill(j, bufs[j])
            write(j, bufs[j])

        half_g = NCHUNK // 2 // NBUF

        def pair(g, _):
            @pl.when(g == half_g)
            def _():
                pltpu.sync_copy(
                    idxb_hbm.at[pl.ds(
                        (row_base + ROWS // 2) * LANES, ROWS // 2 * LANES)],
                    idx_b)

            for b in range(NBUF):
                j = g * NBUF + b
                wait_write(bufs[b])
                fill(j, bufs[b])
                write(j, bufs[b])
            return 0

        lax.fori_loop(1, NCHUNK // NBUF, pair, 0)
        for b in range(NBUF):
            wait_write(bufs[b])

    return gather_kernel


_gather = _make_gather()


@jax.jit
def kernel(x, embedding):
    idx = x.reshape(B_TOTAL).astype(jnp.int32)
    idx_b = jnp.broadcast_to(
        (idx * COLS)[:, None], (B_TOTAL, LANES)).reshape(-1)
    table = (
        embedding.reshape(VOCAB, NCOLG, COLS)
        .transpose(1, 0, 2)
        .reshape(NCOLG * VOCAB * COLS)
    )
    out = _gather(idx_b, table)
    return out.reshape(x.shape + (EMBED,))

# --- scband reference (transcript-rebuilt; emitter-appended) ---
"""Pipeline reference for scband-tiny-llm-12060268167625 (READ-ONLY COPY).

The authoritative reference and input builder live on the scoring server;
editing this copy changes nothing except your own understanding.
"""

import jax, jax.numpy as jnp
import numpy as np

VOCAB_DIM = 256
EMBED_DIM = 512

def setup_inputs(seed: int = 0) -> dict:
    key = jax.random.key(seed)
    k_x, k_emb = jax.random.split(key)
    x = jax.random.randint(k_x, (4, 8192), 0, VOCAB_DIM, dtype=jnp.int64 if jax.config.jax_enable_x64 else jnp.int32)
    embedding = jax.random.normal(k_emb, (VOCAB_DIM, EMBED_DIM), dtype=jnp.float32)
    return {"x": x, "embedding": embedding}

def reference(x, embedding):
    # Faithful to TinyLLM.__call__: out = embedding[x]
    out = jnp.take(embedding, x, axis=0)
    return out

if __name__ == "__main__":
    import jax
    _d = setup_inputs()
    print(jax.jit(kernel)(*tuple(_d.values())))

</pallas_src>

<mosaic_0001>
#map = affine_map<(d0, d1) -> (0)>
#map1 = affine_map<(d0, d1) -> (0, 0)>
module attributes {stable_mosaic.version = 14 : i64} {
  func.func @gather_kernel(%arg0: i32, %arg1: i32, %arg2: memref<524288xi32, #tpu.memory_space<hbm>>, %arg3: memref<131072xf32, #tpu.memory_space<hbm>>, %arg4: memref<32768x512xf32, #tpu.memory_space<hbm>>, %arg5: memref<16384xi32, #tpu.memory_space<vmem>>, %arg6: memref<65536xf32, #tpu.memory_space<vmem>>, %arg7: memref<64x256xf32, #tpu.memory_space<vmem>>, %arg8: memref<64x256xf32, #tpu.memory_space<vmem>>, %arg9: memref<!tpu.dma_semaphore, #tpu.memory_space<semaphore_mem>>, %arg10: memref<!tpu.dma_semaphore, #tpu.memory_space<semaphore_mem>>) attributes {dimension_semantics = [#tpu.dimension_semantics<core_parallel>, #tpu.dimension_semantics<subcore_parallel>], iteration_bounds = array<i64: 2, 16>, scalar_prefetch = 0 : i64, scratch_operands = 6 : i64, tpu.core_type = #tpu.core_type<sc_vector_subcore>, window_params = [{transform_indices = #map}, {transform_indices = #map}, {transform_indices = #map1}]} {
    %mul3A = arith.constant 2 : i32
    %mul3A_0 = arith.muli %arg1, %mul3A : i32
    %add3A = arith.addi %mul3A_0, %arg0 : i32
    %jit3A = arith.constant 2 : i32
    %div3A = arith.divsi %add3A, %jit3A : i32
    %sign3A = arith.constant 0 : i32
    %sign3A_1 = arith.cmpi sgt, %add3A, %sign3A : i32
    %sign3A_2 = arith.extui %sign3A_1 : i1 to i32
    %sign3A_3 = arith.constant 0 : i32
    %sign3A_4 = arith.cmpi slt, %add3A, %sign3A_3 : i32
    %sign3A_5 = arith.extui %sign3A_4 : i1 to i32
    %sign3A_6 = arith.subi %sign3A_2, %sign3A_5 : i32
    %sign3A_7 = arith.constant 0 : i32
    %sign3A_8 = arith.cmpi sgt, %jit3A, %sign3A_7 : i32
    %sign3A_9 = arith.extui %sign3A_8 : i1 to i32
    %sign3A_10 = arith.constant 0 : i32
    %sign3A_11 = arith.cmpi slt, %jit3A, %sign3A_10 : i32
    %sign3A_12 = arith.extui %sign3A_11 : i1 to i32
    %sign3A_13 = arith.subi %sign3A_9, %sign3A_12 : i32
    %ne3A = arith.cmpi ne, %sign3A_6, %sign3A_13 : i32
    %rem3A = arith.remsi %add3A, %jit3A : i32
    %ne3A_14 = arith.constant 0 : i32
    %ne3A_15 = arith.cmpi ne, %rem3A, %ne3A_14 : i32
    %and3A = arith.andi %ne3A, %ne3A_15 : i1
    %sub3A = arith.constant 1 : i32
    %sub3A_16 = arith.subi %div3A, %sub3A : i32
    %select_n3A = arith.select %and3A, %sub3A_16, %div3A : i32
    %jit3A_17 = arith.constant 2 : i32
    %eq3A = arith.constant 0 : i32
    %eq3A_18 = arith.cmpi eq, %jit3A_17, %eq3A : i32
    %jit3A_19 = arith.constant 1 : i32
    %select_n3A_20 = arith.select %eq3A_18, %jit3A_19, %jit3A_17 : i32
    %rem3A_21 = arith.remsi %add3A, %select_n3A_20 : i32
    %ne3A_22 = arith.constant 0 : i32
    %ne3A_23 = arith.cmpi ne, %rem3A_21, %ne3A_22 : i32
    %lt3A = arith.constant 0 : i32
    %lt3A_24 = arith.cmpi slt, %rem3A_21, %lt3A : i32
    %lt3A_25 = arith.constant 0 : i32
    %lt3A_26 = arith.cmpi slt, %select_n3A_20, %lt3A_25 : i32
    %ne3A_27 = arith.xori %lt3A_24, %lt3A_26 : i1
    %and3A_28 = arith.andi %ne3A_27, %ne3A_23 : i1
    %add3A_29 = arith.addi %rem3A_21, %select_n3A_20 : i32
    %select_n3A_30 = arith.select %and3A_28, %add3A_29, %rem3A_21 : i32
    %mul3A_31 = arith.constant 2048 : i32
    %mul3A_32 = arith.muli %select_n3A, %mul3A_31 : i32
    %mul3A_33 = arith.constant 65536 : i32
    %mul3A_34 = arith.muli %select_n3A_30, %mul3A_33 : i32
    %dma_start3A = tpu.memref_slice %arg3[%mul3A_34] : memref<131072xf32, #tpu.memory_space<hbm>> -> memref<65536xf32, #tpu.memory_space<hbm>>
    %dma_start3A_35 = tpu.memref_slice %arg3[%mul3A_34] : memref<131072xf32, #tpu.memory_space<hbm>> -> memref<65536xf32, #tpu.memory_space<hbm>>
    tpu.enqueue_dma source(%dma_start3A_35 : memref<65536xf32, #tpu.memory_space<hbm>>) target(%arg6 : memref<65536xf32, #tpu.memory_space<vmem>>) target_semaphore(%arg9 : memref<!tpu.dma_semaphore, #tpu.memory_space<semaphore_mem>>)
    %mul3A_36 = arith.constant 16 : i32
    %mul3A_37 = arith.muli %mul3A_32, %mul3A_36 : i32
    "tpu.region"() ({
      %run_scoped3A = tpu.sem_alloc : memref<!tpu.dma_semaphore, #tpu.memory_space<semaphore_mem>>
      %dma_start3A_72 = tpu.memref_slice %arg2[%mul3A_37] : memref<524288xi32, #tpu.memory_space<hbm>> -> memref<16384xi32, #tpu.memory_space<hbm>>
      %dma_start3A_73 = tpu.memref_slice %arg2[%mul3A_37] : memref<524288xi32, #tpu.memory_space<hbm>> -> memref<16384xi32, #tpu.memory_space<hbm>>
      tpu.enqueue_dma source(%dma_start3A_73 : memref<16384xi32, #tpu.memory_space<hbm>>) target(%arg5 : memref<16384xi32, #tpu.memory_space<vmem>>) target_semaphore(%run_scoped3A : memref<!tpu.dma_semaphore, #tpu.memory_space<semaphore_mem>>)
      %dma_wait3A_74 = tpu.memref_slice %arg2[%mul3A_37] : memref<524288xi32, #tpu.memory_space<hbm>> -> memref<16384xi32, #tpu.memory_space<hbm>>
      %dma_wait3A_75 = tpu.memref_slice %arg2[%mul3A_37] : memref<524288xi32, #tpu.memory_space<hbm>> -> memref<16384xi32, #tpu.memory_space<hbm>>
      tpu.wait_dma2 semaphore(%run_scoped3A : memref<!tpu.dma_semaphore, #tpu.memory_space<semaphore_mem>>) src(%dma_wait3A_75 : memref<16384xi32, #tpu.memory_space<hbm>>) dst(%arg5 : memref<16384xi32, #tpu.memory_space<vmem>>)
      tpu.yield
    }) : () -> ()
    %mul3A_38 = arith.constant 65536 : i32
    %mul3A_39 = arith.muli %select_n3A_30, %mul3A_38 : i32
    %dma_wait3A = tpu.memref_slice %arg3[%mul3A_39] : memref<131072xf32, #tpu.memory_space<hbm>> -> memref<65536xf32, #tpu.memory_space<hbm>>
    %dma_wait3A_40 = tpu.memref_slice %arg3[%mul3A_39] : memref<131072xf32, #tpu.memory_space<hbm>> -> memref<65536xf32, #tpu.memory_space<hbm>>
    tpu.wait_dma2 semaphore(%arg9 : memref<!tpu.dma_semaphore, #tpu.memory_space<semaphore_mem>>) src(%dma_wait3A_40 : memref<65536xf32, #tpu.memory_space<hbm>>) dst(%arg6 : memref<65536xf32, #tpu.memory_space<vmem>>)
    %iota3A = tpu.iota {dimensions = array<i32: 0>} : vector<16xi32>
    %parallel_loop3A = arith.constant 0 : i32
    %parallel_loop3A_41 = arith.constant 64 : i32
    %parallel_loop3A_42 = arith.constant 1 : i32
    scf.for %parallel_loop3A_72 = %parallel_loop3A to %parallel_loop3A_41 step %parallel_loop3A_42  : i32 {
      %parallel_loop3A_73 = arith.constant 0 : i32
      %parallel_loop3A_74 = arith.addi %parallel_loop3A_73, %parallel_loop3A_72 : i32
      %parallel_loop3A_75 = arith.constant 16 : i32
      %parallel_loop3A_76 = arith.muli %parallel_loop3A_74, %parallel_loop3A_75 : i32
      %parallel_loop3A_77 = arith.index_cast %parallel_loop3A_76 : i32 to index
      %parallel_loop3A_78 = tpu.vector_load %arg5[%parallel_loop3A_77] {strides = array<i32>} : memref<16384xi32, #tpu.memory_space<vmem>>, vector<16xi32>,
      %parallel_loop3A_79 = arith.constant 0 : i32
      %parallel_loop3A_80 = arith.constant 16 : i32
      %parallel_loop3A_81 = arith.constant 1 : i32
      %parallel_loop3A_82 = scf.for %parallel_loop3A_83 = %parallel_loop3A_79 to %parallel_loop3A_80 step %parallel_loop3A_81 iter_args(%parallel_loop3A_84 = %iota3A) -> (vector<16xi32>)  : i32 {
        %parallel_loop3A_85 = arith.addi %parallel_loop3A_78, %parallel_loop3A_84 : vector<16xi32>
        %parallel_loop3A_86 = tpu.vector_load_idx %arg6[%parallel_loop3A_85] : memref<65536xf32, #tpu.memory_space<vmem>>[vector<16xi32>], vector<16xf32>,
        %parallel_loop3A_87 = arith.constant 16 : i32
        %parallel_loop3A_88 = arith.muli %parallel_loop3A_83, %parallel_loop3A_87 : i32
        %parallel_loop3A_89 = arith.index_cast %parallel_loop3A_72 : i32 to index
        %parallel_loop3A_90 = arith.index_cast %parallel_loop3A_88 : i32 to index
        %parallel_loop3A_91 = tpu.vector_load %arg7[%parallel_loop3A_89, %parallel_loop3A_90] {strides = array<i32>} : memref<64x256xf32, #tpu.memory_space<vmem>>, vector<16xf32>,
        tpu.vector_store %arg7[%parallel_loop3A_89, %parallel_loop3A_90], %parallel_loop3A_86 {strides = array<i32>} : memref<64x256xf32, #tpu.memory_space<vmem>>, vector<16xf32>,
        %parallel_loop3A_92 = arith.constant 16 : i32
        %parallel_loop3A_93 = vector.broadcast %parallel_loop3A_92 : i32 to vector<16xi32>
        %parallel_loop3A_94 = arith.addi %parallel_loop3A_84, %parallel_loop3A_93 : vector<16xi32>
        scf.yield %parallel_loop3A_94 : vector<16xi32>
      } {sc.loop_unroll_factor = 16 : i64, sc.parallel_access}
    } {sc.loop_unroll_factor = 8 : i64, sc.parallel_access}
    %add3A_43 = arith.constant 0 : i32
    %add3A_44 = arith.addi %mul3A_32, %add3A_43 : i32
    %mul3A_45 = arith.constant 256 : i32
    %mul3A_46 = arith.muli %select_n3A_30, %mul3A_45 : i32
    %dma_start3A_47 = tpu.memref_slice %arg4[%add3A_44, %mul3A_46] : memref<32768x512xf32, #tpu.memory_space<hbm>> -> memref<64x256xf32, #tpu.memory_space<hbm>>
    %dma_start3A_48 = tpu.memref_slice %arg4[%add3A_44, %mul3A_46] : memref<32768x512xf32, #tpu.memory_space<hbm>> -> memref<64x256xf32, #tpu.memory_space<hbm>>
    tpu.enqueue_dma source(%arg7 : memref<64x256xf32, #tpu.memory_space<vmem>>) target(%dma_start3A_48 : memref<64x256xf32, #tpu.memory_space<hbm>>) target_semaphore(%arg10 : memref<!tpu.dma_semaphore, #tpu.memory_space<semaphore_mem>>)
    %parallel_loop3A_49 = arith.constant 0 : i32
    %parallel_loop3A_50 = arith.constant 64 : i32
    %parallel_loop3A_51 = arith.constant 1 : i32
    scf.for %parallel_loop3A_72 = %parallel_loop3A_49 to %parallel_loop3A_50 step %parallel_loop3A_51  : i32 {
      %parallel_loop3A_73 = arith.constant 64 : i32
      %parallel_loop3A_74 = arith.addi %parallel_loop3A_73, %parallel_loop3A_72 : i32
      %parallel_loop3A_75 = arith.constant 16 : i32
      %parallel_loop3A_76 = arith.muli %parallel_loop3A_74, %parallel_loop3A_75 : i32
      %parallel_loop3A_77 = arith.index_cast %parallel_loop3A_76 : i32 to index
      %parallel_loop3A_78 = tpu.vector_load %arg5[%parallel_loop3A_77] {strides = array<i32>} : memref<16384xi32, #tpu.memory_space<vmem>>, vector<16xi32>,
      %parallel_loop3A_79 = arith.constant 0 : i32
      %parallel_loop3A_80 = arith.constant 16 : i32
      %parallel_loop3A_81 = arith.constant 1 : i32
      %parallel_loop3A_82 = scf.for %parallel_loop3A_83 = %parallel_loop3A_79 to %parallel_loop3A_80 step %parallel_loop3A_81 iter_args(%parallel_loop3A_84 = %iota3A) -> (vector<16xi32>)  : i32 {
        %parallel_loop3A_85 = arith.addi %parallel_loop3A_78, %parallel_loop3A_84 : vector<16xi32>
        %parallel_loop3A_86 = tpu.vector_load_idx %arg6[%parallel_loop3A_85] : memref<65536xf32, #tpu.memory_space<vmem>>[vector<16xi32>], vector<16xf32>,
        %parallel_loop3A_87 = arith.constant 16 : i32
        %parallel_loop3A_88 = arith.muli %parallel_loop3A_83, %parallel_loop3A_87 : i32
        %parallel_loop3A_89 = arith.index_cast %parallel_loop3A_72 : i32 to index
        %parallel_loop3A_90 = arith.index_cast %parallel_loop3A_88 : i32 to index
        %parallel_loop3A_91 = tpu.vector_load %arg8[%parallel_loop3A_89, %parallel_loop3A_90] {strides = array<i32>} : memref<64x256xf32, #tpu.memory_space<vmem>>, vector<16xf32>,
        tpu.vector_store %arg8[%parallel_loop3A_89, %parallel_loop3A_90], %parallel_loop3A_86 {strides = array<i32>} : memref<64x256xf32, #tpu.memory_space<vmem>>, vector<16xf32>,
        %parallel_loop3A_92 = arith.constant 16 : i32
        %parallel_loop3A_93 = vector.broadcast %parallel_loop3A_92 : i32 to vector<16xi32>
        %parallel_loop3A_94 = arith.addi %parallel_loop3A_84, %parallel_loop3A_93 : vector<16xi32>
        scf.yield %parallel_loop3A_94 : vector<16xi32>
      } {sc.loop_unroll_factor = 16 : i64, sc.parallel_access}
    } {sc.loop_unroll_factor = 8 : i64, sc.parallel_access}
    %add3A_52 = arith.constant 64 : i32
    %add3A_53 = arith.addi %mul3A_32, %add3A_52 : i32
    %mul3A_54 = arith.constant 256 : i32
    %mul3A_55 = arith.muli %select_n3A_30, %mul3A_54 : i32
    %dma_start3A_56 = tpu.memref_slice %arg4[%add3A_53, %mul3A_55] : memref<32768x512xf32, #tpu.memory_space<hbm>> -> memref<64x256xf32, #tpu.memory_space<hbm>>
    %dma_start3A_57 = tpu.memref_slice %arg4[%add3A_53, %mul3A_55] : memref<32768x512xf32, #tpu.memory_space<hbm>> -> memref<64x256xf32, #tpu.memory_space<hbm>>
    tpu.enqueue_dma source(%arg8 : memref<64x256xf32, #tpu.memory_space<vmem>>) target(%dma_start3A_57 : memref<64x256xf32, #tpu.memory_space<hbm>>) target_semaphore(%arg10 : memref<!tpu.dma_semaphore, #tpu.memory_space<semaphore_mem>>)
    %scan3A = arith.constant 0 : i32
    %scan3A_58 = arith.constant 1 : i32
    %scan3A_59 = arith.constant 15 : i32
    %scan3A_60 = arith.addi %scan3A_58, %scan3A_59 : i32
    %scan3A_61 = arith.constant 1 : i32
    %scan3A_62 = scf.for %scan3A_72 = %scan3A_58 to %scan3A_60 step %scan3A_61 iter_args(%scan3A_73 = %scan3A) -> (i32)  : i32 {
      %eq3A_74 = arith.constant 8 : i32
      %eq3A_75 = arith.cmpi eq, %scan3A_72, %eq3A_74 : i32
      %convert_element_type3A = arith.extui %eq3A_75 : i1 to i32
      %cond3A = arith.constant 0 : i32
      %cond3A_76 = arith.cmpi ne, %convert_element_type3A, %cond3A : i32
      scf.if %cond3A_76 {
        %add3A_114 = arith.constant 1024 : i32
        %add3A_115 = arith.addi %mul3A_32, %add3A_114 : i32
        %mul3A_116 = arith.constant 16 : i32
        %mul3A_117 = arith.muli %add3A_115, %mul3A_116 : i32
        "tpu.region"() ({
          %run_scoped3A = tpu.sem_alloc : memref<!tpu.dma_semaphore, #tpu.memory_space<semaphore_mem>>
          %dma_start3A_118 = tpu.memref_slice %arg2[%mul3A_117] : memref<524288xi32, #tpu.memory_space<hbm>> -> memref<16384xi32, #tpu.memory_space<hbm>>
          %dma_start3A_119 = tpu.memref_slice %arg2[%mul3A_117] : memref<524288xi32, #tpu.memory_space<hbm>> -> memref<16384xi32, #tpu.memory_space<hbm>>
          tpu.enqueue_dma source(%dma_start3A_119 : memref<16384xi32, #tpu.memory_space<hbm>>) target(%arg5 : memref<16384xi32, #tpu.memory_space<vmem>>) target_semaphore(%run_scoped3A : memref<!tpu.dma_semaphore, #tpu.memory_space<semaphore_mem>>)
          %dma_wait3A_120 = tpu.memref_slice %arg2[%mul3A_117] : memref<524288xi32, #tpu.memory_space<hbm>> -> memref<16384xi32, #tpu.memory_space<hbm>>
          %dma_wait3A_121 = tpu.memref_slice %arg2[%mul3A_117] : memref<524288xi32, #tpu.memory_space<hbm>> -> memref<16384xi32, #tpu.memory_space<hbm>>
          tpu.wait_dma2 semaphore(%run_scoped3A : memref<!tpu.dma_semaphore, #tpu.memory_space<semaphore_mem>>) src(%dma_wait3A_121 : memref<16384xi32, #tpu.memory_space<hbm>>) dst(%arg5 : memref<16384xi32, #tpu.memory_space<vmem>>)
          tpu.yield
        }) : () -> ()
      } else {
      }
      %mul3A_77 = arith.constant 2 : i32
      %mul3A_78 = arith.muli %scan3A_72, %mul3A_77 : i32
      %add3A_79 = arith.constant 0 : i32
      %add3A_80 = arith.addi %mul3A_78, %add3A_79 : i32
      %mul3A_81 = arith.constant 256 : i32
      %mul3A_82 = arith.muli %select_n3A_30, %mul3A_81 : i32
      %dma_wait3A_83 = tpu.memref_slice %arg4[%mul3A_32, %mul3A_82] : memref<32768x512xf32, #tpu.memory_space<hbm>> -> memref<64x256xf32, #tpu.memory_space<hbm>>
      %dma_wait3A_84 = tpu.memref_slice %arg4[%mul3A_32, %mul3A_82] : memref<32768x512xf32, #tpu.memory_space<hbm>> -> memref<64x256xf32, #tpu.memory_space<hbm>>
      tpu.wait_dma2 semaphore(%arg10 : memref<!tpu.dma_semaphore, #tpu.memory_space<semaphore_mem>>) src(%arg7 : memref<64x256xf32, #tpu.memory_space<vmem>>) dst(%dma_wait3A_84 : memref<64x256xf32, #tpu.memory_space<hbm>>)
      %parallel_loop3A_85 = arith.constant 0 : i32
      %parallel_loop3A_86 = arith.constant 64 : i32
      %parallel_loop3A_87 = arith.constant 1 : i32
      scf.for %parallel_loop3A_114 = %parallel_loop3A_85 to %parallel_loop3A_86 step %parallel_loop3A_87  : i32 {
        %parallel_loop3A_115 = arith.constant 16 : i32
        %parallel_loop3A_116 = arith.constant 0 : i32
        %parallel_loop3A_117 = arith.cmpi eq, %parallel_loop3A_115, %parallel_loop3A_116 : i32
        %parallel_loop3A_118 = arith.constant 1 : i32
        %parallel_loop3A_119 = arith.select %parallel_loop3A_117, %parallel_loop3A_118, %parallel_loop3A_115 : i32
        %parallel_loop3A_120 = arith.remsi %add3A_80, %parallel_loop3A_119 : i32
        %parallel_loop3A_121 = arith.constant 0 : i32
        %parallel_loop3A_122 = arith.cmpi ne, %parallel_loop3A_120, %parallel_loop3A_121 : i32
        %parallel_loop3A_123 = arith.constant 0 : i32
        %parallel_loop3A_124 = arith.cmpi slt, %parallel_loop3A_120, %parallel_loop3A_123 : i32
        %parallel_loop3A_125 = arith.constant 0 : i32
        %parallel_loop3A_126 = arith.cmpi slt, %parallel_loop3A_119, %parallel_loop3A_125 : i32
        %parallel_loop3A_127 = arith.xori %parallel_loop3A_124, %parallel_loop3A_126 : i1
        %parallel_loop3A_128 = arith.andi %parallel_loop3A_127, %parallel_loop3A_122 : i1
        %parallel_loop3A_129 = arith.addi %parallel_loop3A_120, %parallel_loop3A_119 : i32
        %parallel_loop3A_130 = arith.select %parallel_loop3A_128, %parallel_loop3A_129, %parallel_loop3A_120 : i32
        %parallel_loop3A_131 = arith.constant 64 : i32
        %parallel_loop3A_132 = arith.muli %parallel_loop3A_130, %parallel_loop3A_131 : i32
        %parallel_loop3A_133 = arith.addi %parallel_loop3A_132, %parallel_loop3A_114 : i32
        %parallel_loop3A_134 = arith.constant 16 : i32
        %parallel_loop3A_135 = arith.muli %parallel_loop3A_133, %parallel_loop3A_134 : i32
        %parallel_loop3A_136 = arith.index_cast %parallel_loop3A_135 : i32 to index
        %parallel_loop3A_137 = tpu.vector_load %arg5[%parallel_loop3A_136] {strides = array<i32>} : memref<16384xi32, #tpu.memory_space<vmem>>, vector<16xi32>,
        %parallel_loop3A_138 = arith.constant 0 : i32
        %parallel_loop3A_139 = arith.constant 16 : i32
        %parallel_loop3A_140 = arith.constant 1 : i32
        %parallel_loop3A_141 = scf.for %parallel_loop3A_142 = %parallel_loop3A_138 to %parallel_loop3A_139 step %parallel_loop3A_140 iter_args(%parallel_loop3A_143 = %iota3A) -> (vector<16xi32>)  : i32 {
          %parallel_loop3A_144 = arith.addi %parallel_loop3A_137, %parallel_loop3A_143 : vector<16xi32>
          %parallel_loop3A_145 = tpu.vector_load_idx %arg6[%parallel_loop3A_144] : memref<65536xf32, #tpu.memory_space<vmem>>[vector<16xi32>], vector<16xf32>,
          %parallel_loop3A_146 = arith.constant 16 : i32
          %parallel_loop3A_147 = arith.muli %parallel_loop3A_142, %parallel_loop3A_146 : i32
          %parallel_loop3A_148 = arith.index_cast %parallel_loop3A_114 : i32 to index
          %parallel_loop3A_149 = arith.index_cast %parallel_loop3A_147 : i32 to index
          %parallel_loop3A_150 = tpu.vector_load %arg7[%parallel_loop3A_148, %parallel_loop3A_149] {strides = array<i32>} : memref<64x256xf32, #tpu.memory_space<vmem>>, vector<16xf32>,
          tpu.vector_store %arg7[%parallel_loop3A_148, %parallel_loop3A_149], %parallel_loop3A_145 {strides = array<i32>} : memref<64x256xf32, #tpu.memory_space<vmem>>, vector<16xf32>,
          %parallel_loop3A_151 = arith.constant 16 : i32
          %parallel_loop3A_152 = vector.broadcast %parallel_loop3A_151 : i32 to vector<16xi32>
          %parallel_loop3A_153 = arith.addi %parallel_loop3A_143, %parallel_loop3A_152 : vector<16xi32>
          scf.yield %parallel_loop3A_153 : vector<16xi32>
        } {sc.loop_unroll_factor = 16 : i64, sc.parallel_access}
      } {sc.loop_unroll_factor = 8 : i64, sc.parallel_access}
      %mul3A_88 = arith.constant 64 : i32
      %mul3A_89 = arith.muli %add3A_80, %mul3A_88 : i32
      %add3A_90 = arith.addi %mul3A_32, %mul3A_89 : i32
      %mul3A_91 = arith.constant 256 : i32
      %mul3A_92 = arith.muli %select_n3A_30, %mul3A_91 : i32
      %dma_start3A_93 = tpu.memref_slice %arg4[%add3A_90, %mul3A_92] : memref<32768x512xf32, #tpu.memory_space<hbm>> -> memref<64x256xf32, #tpu.memory_space<hbm>>
      %dma_start3A_94 = tpu.memref_slice %arg4[%add3A_90, %mul3A_92] : memref<32768x512xf32, #tpu.memory_space<hbm>> -> memref<64x256xf32, #tpu.memory_space<hbm>>
      tpu.enqueue_dma source(%arg7 : memref<64x256xf32, #tpu.memory_space<vmem>>) target(%dma_start3A_94 : memref<64x256xf32, #tpu.memory_space<hbm>>) target_semaphore(%arg10 : memref<!tpu.dma_semaphore, #tpu.memory_space<semaphore_mem>>)
      %mul3A_95 = arith.constant 2 : i32
      %mul3A_96 = arith.muli %scan3A_72, %mul3A_95 : i32
      %add3A_97 = arith.constant 1 : i32
      %add3A_98 = arith.addi %mul3A_96, %add3A_97 : i32
      %mul3A_99 = arith.constant 256 : i32
      %mul3A_100 = arith.muli %select_n3A_30, %mul3A_99 : i32
      %dma_wait3A_101 = tpu.memref_slice %arg4[%mul3A_32, %mul3A_100] : memref<32768x512xf32, #tpu.memory_space<hbm>> -> memref<64x256xf32, #tpu.memory_space<hbm>>
      %dma_wait3A_102 = tpu.memref_slice %arg4[%mul3A_32, %mul3A_100] : memref<32768x512xf32, #tpu.memory_space<hbm>> -> memref<64x256xf32, #tpu.memory_space<hbm>>
      tpu.wait_dma2 semaphore(%arg10 : memref<!tpu.dma_semaphore, #tpu.memory_space<semaphore_mem>>) src(%arg8 : memref<64x256xf32, #tpu.memory_space<vmem>>) dst(%dma_wait3A_102 : memref<64x256xf32, #tpu.memory_space<hbm>>)
      %parallel_loop3A_103 = arith.constant 0 : i32
      %parallel_loop3A_104 = arith.constant 64 : i32
      %parallel_loop3A_105 = arith.constant 1 : i32
      scf.for %parallel_loop3A_114 = %parallel_loop3A_103 to %parallel_loop3A_104 step %parallel_loop3A_105  : i32 {
        %parallel_loop3A_115 = arith.constant 16 : i32
        %parallel_loop3A_116 = arith.constant 0 : i32
        %parallel_loop3A_117 = arith.cmpi eq, %parallel_loop3A_115, %parallel_loop3A_116 : i32
        %parallel_loop3A_118 = arith.constant 1 : i32
        %parallel_loop3A_119 = arith.select %parallel_loop3A_117, %parallel_loop3A_118, %parallel_loop3A_115 : i32
        %parallel_loop3A_120 = arith.remsi %add3A_98, %parallel_loop3A_119 : i32
        %parallel_loop3A_121 = arith.constant 0 : i32
        %parallel_loop3A_122 = arith.cmpi ne, %parallel_loop3A_120, %parallel_loop3A_121 : i32
        %parallel_loop3A_123 = arith.constant 0 : i32
        %parallel_loop3A_124 = arith.cmpi slt, %parallel_loop3A_120, %parallel_loop3A_123 : i32
        %parallel_loop3A_125 = arith.constant 0 : i32
        %parallel_loop3A_126 = arith.cmpi slt, %parallel_loop3A_119, %parallel_loop3A_125 : i32
        %parallel_loop3A_127 = arith.xori %parallel_loop3A_124, %parallel_loop3A_126 : i1
        %parallel_loop3A_128 = arith.andi %parallel_loop3A_127, %parallel_loop3A_122 : i1
        %parallel_loop3A_129 = arith.addi %parallel_loop3A_120, %parallel_loop3A_119 : i32
        %parallel_loop3A_130 = arith.select %parallel_loop3A_128, %parallel_loop3A_129, %parallel_loop3A_120 : i32
        %parallel_loop3A_131 = arith.constant 64 : i32
        %parallel_loop3A_132 = arith.muli %parallel_loop3A_130, %parallel_loop3A_131 : i32
        %parallel_loop3A_133 = arith.addi %parallel_loop3A_132, %parallel_loop3A_114 : i32
        %parallel_loop3A_134 = arith.constant 16 : i32
        %parallel_loop3A_135 = arith.muli %parallel_loop3A_133, %parallel_loop3A_134 : i32
        %parallel_loop3A_136 = arith.index_cast %parallel_loop3A_135 : i32 to index
        %parallel_loop3A_137 = tpu.vector_load %arg5[%parallel_loop3A_136] {strides = array<i32>} : memref<16384xi32, #tpu.memory_space<vmem>>, vector<16xi32>,
        %parallel_loop3A_138 = arith.constant 0 : i32
        %parallel_loop3A_139 = arith.constant 16 : i32
        %parallel_loop3A_140 = arith.constant 1 : i32
        %parallel_loop3A_141 = scf.for %parallel_loop3A_142 = %parallel_loop3A_138 to %parallel_loop3A_139 step %parallel_loop3A_140 iter_args(%parallel_loop3A_143 = %iota3A) -> (vector<16xi32>)  : i32 {
          %parallel_loop3A_144 = arith.addi %parallel_loop3A_137, %parallel_loop3A_143 : vector<16xi32>
          %parallel_loop3A_145 = tpu.vector_load_idx %arg6[%parallel_loop3A_144] : memref<65536xf32, #tpu.memory_space<vmem>>[vector<16xi32>], vector<16xf32>,
          %parallel_loop3A_146 = arith.constant 16 : i32
          %parallel_loop3A_147 = arith.muli %parallel_loop3A_142, %parallel_loop3A_146 : i32
          %parallel_loop3A_148 = arith.index_cast %parallel_loop3A_114 : i32 to index
          %parallel_loop3A_149 = arith.index_cast %parallel_loop3A_147 : i32 to index
          %parallel_loop3A_150 = tpu.vector_load %arg8[%parallel_loop3A_148, %parallel_loop3A_149] {strides = array<i32>} : memref<64x256xf32, #tpu.memory_space<vmem>>, vector<16xf32>,
          tpu.vector_store %arg8[%parallel_loop3A_148, %parallel_loop3A_149], %parallel_loop3A_145 {strides = array<i32>} : memref<64x256xf32, #tpu.memory_space<vmem>>, vector<16xf32>,
          %parallel_loop3A_151 = arith.constant 16 : i32
          %parallel_loop3A_152 = vector.broadcast %parallel_loop3A_151 : i32 to vector<16xi32>
          %parallel_loop3A_153 = arith.addi %parallel_loop3A_143, %parallel_loop3A_152 : vector<16xi32>
          scf.yield %parallel_loop3A_153 : vector<16xi32>
        } {sc.loop_unroll_factor = 16 : i64, sc.parallel_access}
      } {sc.loop_unroll_factor = 8 : i64, sc.parallel_access}
      %mul3A_106 = arith.constant 64 : i32
      %mul3A_107 = arith.muli %add3A_98, %mul3A_106 : i32
      %add3A_108 = arith.addi %mul3A_32, %mul3A_107 : i32
      %mul3A_109 = arith.constant 256 : i32
      %mul3A_110 = arith.muli %select_n3A_30, %mul3A_109 : i32
      %dma_start3A_111 = tpu.memref_slice %arg4[%add3A_108, %mul3A_110] : memref<32768x512xf32, #tpu.memory_space<hbm>> -> memref<64x256xf32, #tpu.memory_space<hbm>>
      %dma_start3A_112 = tpu.memref_slice %arg4[%add3A_108, %mul3A_110] : memref<32768x512xf32, #tpu.memory_space<hbm>> -> memref<64x256xf32, #tpu.memory_space<hbm>>
      tpu.enqueue_dma source(%arg8 : memref<64x256xf32, #tpu.memory_space<vmem>>) target(%dma_start3A_112 : memref<64x256xf32, #tpu.memory_space<hbm>>) target_semaphore(%arg10 : memref<!tpu.dma_semaphore, #tpu.memory_space<semaphore_mem>>)
      %scan3A_113 = arith.constant 0 : i32
      scf.yield %scan3A_113 : i32
    }
    %scan3A_63 = arith.constant 15 : i32
    %mul3A_64 = arith.constant 256 : i32
    %mul3A_65 = arith.muli %select_n3A_30, %mul3A_64 : i32
    %dma_wait3A_66 = tpu.memref_slice %arg4[%mul3A_32, %mul3A_65] : memref<32768x512xf32, #tpu.memory_space<hbm>> -> memref<64x256xf32, #tpu.memory_space<hbm>>
    %dma_wait3A_67 = tpu.memref_slice %arg4[%mul3A_32, %mul3A_65] : memref<32768x512xf32, #tpu.memory_space<hbm>> -> memref<64x256xf32, #tpu.memory_space<hbm>>
    tpu.wait_dma2 semaphore(%arg10 : memref<!tpu.dma_semaphore, #tpu.memory_space<semaphore_mem>>) src(%arg7 : memref<64x256xf32, #tpu.memory_space<vmem>>) dst(%dma_wait3A_67 : memref<64x256xf32, #tpu.memory_space<hbm>>)
    %mul3A_68 = arith.constant 256 : i32
    %mul3A_69 = arith.muli %select_n3A_30, %mul3A_68 : i32
    %dma_wait3A_70 = tpu.memref_slice %arg4[%mul3A_32, %mul3A_69] : memref<32768x512xf32, #tpu.memory_space<hbm>> -> memref<64x256xf32, #tpu.memory_space<hbm>>
    %dma_wait3A_71 = tpu.memref_slice %arg4[%mul3A_32, %mul3A_69] : memref<32768x512xf32, #tpu.memory_space<hbm>> -> memref<64x256xf32, #tpu.memory_space<hbm>>
    tpu.wait_dma2 semaphore(%arg10 : memref<!tpu.dma_semaphore, #tpu.memory_space<semaphore_mem>>) src(%arg8 : memref<64x256xf32, #tpu.memory_space<vmem>>) dst(%dma_wait3A_71 : memref<64x256xf32, #tpu.memory_space<hbm>>)
    return
  }
}

</mosaic_0001>

<sc_bundles>
// kernel: kernel.3.cloned.1.call-start
scs
__scs_entry_jumppad:
0x0: {  	(pc) =	sbr.rel $0x88, $3  }
0x1: {  	(tag) =	ssettag $0x0;
	lr =	simm.s32 $0x1  }
0x2: {  	[smem:$0x3F9F] =	sst lr;
	_ =	strace $0xD0000000  }
0x3: {  	_ = 	snop  }
0x4: {  	_ = 	snop  }
0x5: {  	_ = 	snop  }
0x6: {  	_ = 	snop  }
0x7: {  	_ = 	snop  }
__scs_overlays_trampoline_lowered:
0x8: {  	[smem:$0x3FAE] =	sst s0  }
0x9: {  	[smem:$0x3FAF] =	sst s1  }
0xa: {  	[smem:$0x3FB0] =	sst s2  }
0xb: {  	[smem:$0x3FB1] =	sst s3  }
0xc: {  	[smem:$0x3FB2] =	sst s4  }
0xd: {  	[smem:$0x3FB3] =	sst s5  }
0xe: {  	[smem:$0x3FB4] =	sst s6  }
0xf: {  	[smem:$0x3FB5] =	sst s7  }
0x10: {  	[smem:$0x3FB6] =	sst s8  }
0x11: {  	[smem:$0x3FB7] =	sst s9;
	s0 =	simm.s32 @!p0 $0x0  }
0x12: {  	s1 =	sld [smem:$0x3F9D];
	s0 =	simm.s32 @p0 $0x1  }
0x13: {  	[smem:$0x3FB8] =	sst s0;
	s0 =	simm.s32 @!p1 $0x0  }
0x14: {  	s2 =	sld [smem:$0x3F9C];
	s0 =	simm.s32 @p1 $0x1  }
0x15: {  	[smem:$0x3FB9] =	sst s0;
	s0 =	simm.s32 @!p2 $0x0  }
0x16: {  	s3 =	sld [smem:$0x3FDB];
	s0 =	simm.s32 @p2 $0x1  }
0x17: {  	s4 =	simm.s32 $0x1BF5;
	[smem:$0x3FBB] =	sst s0  }
0x18: {  	s0 =	sld [smem:$0x3F9E];
	_ =	swait.ge [sflag:s4], $0x0  }
0x19: {  	s7 =	sld [smem:$0x3F9F]  }
0x1a: {  	s8 =	sadd.s32 $0xFFFFE003, lr  }
0x1b: {  	s9 =	sadd.s32 $0xFFFFFEF7, lr;
	s5 =	simm.s32 $0xFFFFFFFF;
	p2 =	slt.u32 s8, $0xFFFFF086  }
0x1c: {  	p1 =	slt.u32 s9, $0xF7A;
	s5 =	simm.s32 @!p2 $0x0  }
0x1d: {  	s5 =	simm.s32 @p1 $0x1;
	p0 =	seq.s32 s7, s2  }
0x1e: {  	s7 =	smul.u32 @!p0 $0xF7A, s2;
	p2 =	seq.s32 @!p0 s5, $0x0  }
0x1f: {  	s9 =	smul.u32 $0xF7A, s1;
	s8 =	simm.s32 @!p0 $0x1BF5;
	p2 =	por !p2, p0  }
0x20: {  	[sflag:s8] =	ssyncset.s32 @!p0 $0xFFFFF086;
	s6 =	sadd.s32 @!p0 s3, s7;
	s7 =	simm.s32 @!p0 $0x108  }
0x21: {  	s3 =	sadd.s32 s3, s9;
	s6 =	sadd.s32 @!p0 $0x88, s6;
	s7 =	simm.s32 @p2 $0x1082  }
0x22: {  	[simem:s7], [sflag:s8] =	dma.local @!p0 [hbm:s6], $0xF7A  }
0x23: {  	s9 =	sor.u32 $0xD0000000, s2;
	s6 =	simm.s32 $0x108;
	_ =	swait.ge @!p0 [sflag:s8], $0x0  }
0x24: {  	s3 =	sadd.s32 $0x88, s3;
	s6 =	simm.s32 @!p1 $0x1082;
	[sflag:s4] =	ssyncset.s32 $0xFFFFF086  }
0x25: {  	[simem:s6], [sflag:s4] =	dma.local [hbm:s3], $0xF7A  }
0x26: {  	[smem:$0x3F9F] =	sst s1;
	(tag) =	ssettag s2;
	_ =	strace s9  }
0x27: {  	s1 =	sld [smem:$0x3FAF]  }
0x28: {  	s2 =	sld [smem:$0x3FB0]  }
0x29: {  	s4 =	sld [smem:$0x3FB2]  }
0x2a: {  	p0 =	seq.s32 s5, $0x0;
	s5 =	sld [smem:$0x3FB3]  }
0x2b: {  	s6 =	sld [smem:$0x3FB4]  }
0x2c: {  	s7 =	sld [smem:$0x3FB5]  }
0x2d: {  	s3 =	simm.s32 $0x108;
	s8 =	sld [smem:$0x3FB6]  }
0x2e: {  	s3 =	simm.s32 @!p0 $0x1082;
	s9 =	sld [smem:$0x3FB7]  }
0x2f: {  	lr =	sadd.s32 s0, s3;
	s0 =	sld [smem:$0x3FAE]  }
0x30: {  	s3 =	sld [smem:$0x3FB1]  }
0x31: {  	[smem:$0x3FBA] =	sst s10  }
0x32: {  	s10 =	sld [smem:$0x3FB8];
	_ =	sdelay $0x3  }
0x33: {  	p0 =	seq.s32 s10, $0x1;
	s10 =	sld [smem:$0x3FBA];
	_ =	sdelay $0x3  }
0x34: {  	[smem:$0x3FBA] =	sst s10  }
0x35: {  	s10 =	sld [smem:$0x3FB9];
	_ =	sdelay $0x3  }
0x36: {  	p1 =	seq.s32 s10, $0x1;
	s10 =	sld [smem:$0x3FBA];
	_ =	sdelay $0x3  }
0x37: {  	[smem:$0x3FBA] =	sst s10  }
0x38: {  	s10 =	sld [smem:$0x3FBB]  }
0x39: {  	_ = 	snop;
	(pc) =	sbr.ind lr, $3  }
0x3a: {  	_ = 	snop  }
0x3b: {  	_ = 	snop  }
0x3c: {  	p2 =	seq.s32 s10, $0x1;
	s10 =	sld [smem:$0x3FBA]  }
0x3d: {  	_ =	shalt  }
0x3e: {  	_ =	shalt  }
0x3f: {  	_ =	shalt  }
0x40: {  	_ =	shalt  }
0x41: {  	_ =	shalt  }
0x42: {  	_ =	shalt  }
0x43: {  	_ =	shalt  }
0x44: {  	_ =	shalt  }
0x45: {  	_ =	shalt  }
0x46: {  	_ =	shalt  }
0x47: {  	_ =	shalt  }
0x48: {  	_ =	shalt  }
0x49: {  	_ =	shalt  }
0x4a: {  	_ =	shalt  }
0x4b: {  	_ =	shalt  }
0x4c: {  	_ =	shalt  }
0x4d: {  	_ =	shalt  }
0x4e: {  	_ =	shalt  }
0x4f: {  	_ =	shalt  }
0x50: {  	_ =	shalt  }
0x51: {  	_ =	shalt  }
0x52: {  	_ =	shalt  }
0x53: {  	_ =	shalt  }
0x54: {  	_ =	shalt  }
0x55: {  	_ =	shalt  }
0x56: {  	_ =	shalt  }
0x57: {  	_ =	shalt  }
0x58: {  	_ =	shalt  }
0x59: {  	_ =	shalt  }
0x5a: {  	_ =	shalt  }
0x5b: {  	_ =	shalt  }
0x5c: {  	_ =	shalt  }
0x5d: {  	_ =	shalt  }
0x5e: {  	_ =	shalt  }
0x5f: {  	_ =	shalt  }
0x60: {  	_ =	shalt  }
0x61: {  	_ =	shalt  }
0x62: {  	_ =	shalt  }
0x63: {  	_ =	shalt  }
0x64: {  	_ =	shalt  }
0x65: {  	_ =	shalt  }
0x66: {  	_ =	shalt  }
0x67: {  	_ =	shalt  }
0x68: {  	_ =	shalt  }
0x69: {  	_ =	shalt  }
0x6a: {  	_ =	shalt  }
0x6b: {  	_ =	shalt  }
0x6c: {  	_ =	shalt  }
0x6d: {  	_ =	shalt  }
0x6e: {  	_ =	shalt  }
0x6f: {  	_ =	shalt  }
0x70: {  	_ =	shalt  }
0x71: {  	_ =	shalt  }
0x72: {  	_ =	shalt  }
0x73: {  	_ =	shalt  }
0x74: {  	_ =	shalt  }
0x75: {  	_ =	shalt  }
0x76: {  	_ =	shalt  }
0x77: {  	_ =	shalt  }
0x78: {  	_ =	shalt  }
0x79: {  	_ =	shalt  }
0x7a: {  	_ =	shalt  }
0x7b: {  	_ =	shalt  }
0x7c: {  	_ =	shalt  }
0x7d: {  	_ =	shalt  }
0x7e: {  	_ =	shalt  }
0x7f: {  	_ =	shalt  }
0x80: {  	_ =	shalt  }
0x81: {  	_ =	shalt  }
0x82: {  	_ =	shalt  }
0x83: {  	_ =	shalt  }
0x84: {  	_ =	shalt  }
0x85: {  	_ =	shalt  }
0x86: {  	_ =	shalt  }
0x87: {  	_ =	shalt  }
.Lfunc_end0:
.L_simem_size_0:
called_computation_lowered:
.L_overlay_start_0:
0x88: {  	s2 =	sld [smem:$0x3FD9]  }
0x89: {  	s3 =	sld [smem:$0x3FFE];
	_ =	sdelay $0x1  }
0x8a: {  	s1 =	srdreg.scid  }
0x8b: {  	s0 =	sand.u32 $0x1, s1  }
0x8c: {  	s17 =	sshll.u32 s0, $0xA;
	s2 =	sadd.s32 s3, s2  }
0x8d: {  	s2 =	sadd.s32 s2, s17  }
0x8e: {  	[smem:$0x3FC6] =	sst s2  }
0x8f: {  	_ = 	snop  }
0x90: {  	s2 =	sld [smem:$0x3FD0];
	(tm) =	ssettm $0x1  }
0x91: {  	s18 =	sld [smem:$0x3FFB];
	_ =	sdelay $0x3  }
0x92: {  	_ =	strace s18  }
0x93: {  	s3 =	sld [smem:$0x3FFC];
	_ =	sdelay $0x3  }
0x94: {  	_ =	strace s3  }
0x95: {  	s3 =	sld [smem:$0x3FFD];
	_ =	sdelay $0x3  }
0x96: {  	_ =	strace s3  }
0x97: {  	_ =	strace $0x8FFFFFFF  }
0x98: {  	s19 =	sld [smem:$0x3FDB];
	_ =	sdelay $0x1  }
0x99: {  	s4 =	simm.s32 $_scs_section_size  }
0x9a: {  	s5 =	simm.s32 $_size__tile_overlayer_lowered;
	s6 =	simm.s32 $_tile_overlayer_lowered  }
0x9b: {  	s22 =	simm.s32 $0x1BFF;
	s21 =	sshll.u32 s6, $0x1;
	s3 =	sadd.s32 s4, s19  }
0x9c: {  	s7 =	simm.s32 $0x0;
	s20 =	sshll.u32 s5, $0x1;
	s5 =	sadd.s32 s21, s3  }
0x9d: {  	[timem:s7], [sflag:s22] =	dma.local [hbm:s5], s20  }
0x9e: {  	_ =	swait.ge [sflag:s22], s20  }
0x9f: {  	s4 =	ssub.s32 $0x0, s20;
	[sflag:s22] =	ssyncset.done $0x0  }
0xa0: {  	[sflag:s22] =	ssyncadd.s32 s4;
	_ =	sdelay $0x1  }
0xa1: {  	s23 =	simm.s32 $0x1B8B  }
0xa2: {  	_ =	swait.ge [sflag:s23], $0x1  }
0xa3: {  	[sflag:s23] =	ssyncset.done $0x0  }
0xa4: {  	s25 =	simm.s32 $0x1B8E;
	s24 =	sld [smem:$0x3FFE];
	[sflag:s23] =	ssyncadd.s32 $0xFFFFFFFF  }
0xa5: {  	s26 =	simm.s32 $execute0_lowered;
	[smem:$0x3FD2] =	sst s25  }
0xa6: {  	s5 =	sshll.u32 s26, $0x1;
	_ =	strace $0x80000046;
	[dreg:$0x1] =	wrdreg $0xFFFFFFFF  }
0xa7: {  	s28 =	simm.s32 $_size_execute0_lowered;
	s3 =	sadd.s32 s3, s5;
	[dreg:$0x0] =	wrdreg $0x0  }
0xa8: {  	s5 =	sshll.u32 s28, $0x1;
	[dreg:$0x2] =	wrdreg s3  }
0xa9: {  	[dreg:$0x3] =	wrdreg s5  }
0xaa: {  	[dreg:$0x4] =	wrdreg $0xC0  }
0xab: {  	_ =	task [dreg:s7], $0x5FFFF  }
0xac: {  	[dreg:$0x1] =	wrdreg $0xFFFFFFFF  }
0xad: {  	[dreg:$0x0] =	wrdreg $0x60  }
0xae: {  	[dreg:$0x2] =	wrdreg s24  }
0xaf: {  	[dreg:$0x3] =	wrdreg s2  }
0xb0: {  	[dreg:$0x4] =	wrdreg $0x9  }
0xb1: {  	_ =	task.clear_ibuf [dreg:s7], $0x5FFFF;
	_ =	strace $0x90000046  }
0xb2: {  	s29 =	simm.s32 $0x9;
	_ =	strace $0x80000048  }
0xb3: {  	_ =	swait.ge [sflag:s29], $0x1  }
0xb4: {  	[sflag:s29] =	ssyncadd.s32 $0xFFFFFFFF  }
0xb5: {  	_ =	strace $0x90000048  }
0xb6: {  	_ =	sfence  }
0xb7: {  	s30 =	sld [smem:$0x0];
	_ =	sdelay $0x2  }
0xb8: {  	s31 =	sshll.u32 s1, $0xD;
	s1 =	sshrl.u32 s1, $0x2  }
0xb9: {  	s3 =	sand.u32 $0x4000, s31;
	s1 =	sadd.s32 s1, s30  }
0xba: {  	s0 =	sor.u32 s3, s0;
	s1 =	sshll.u32 s1, $0x11  }
0xbb: {  	s0 =	sor.u32 s1, s0  }
0xbc: {  	s0 =	sadd.s32 $0x8F2B, s0  }
0xbd: {  	[sflag:s0] =	ssyncadd.remote.s32 $0x1  }
0xbe: {  	_ =	sfence.sel $0xFFFF  }
0xbf: {  	[dreg:$0x0] =	wrdreg $0xFFFFFFFF;
	(pc) =	sbr.abs _section_cstart, $3  }
0xc0: {  	[dreg:$0x1] =	wrdreg $0xFFFFFFFF  }
0xc1: {  	_ =	task.clear_ibuf [dreg:s7], $0x2FFFF;
	_ =	strace $0x9FFFFFFF  }
0xc2: {  	(tm) =	ssettm $0x7FFFFFFF  }
0xc3: {  	_ =	shalt  }
tec
execute0_lowered:
.L_overlay_start_1:
0x0: {  	(tag) =	ssettag $0x1  }
0x1: {  	s1 =	srdreg.scid;
	s6 =	rddreg [dreg:$0x0]  }
0x2: {  	s0 =	stileid.u32;
	s4 =	simm.s32 $0x1;
	s2 =	rddreg [dreg:$0x1]  }
0x3: {  	s3 =	simm.s32 $0x0;
	s12 =	simm.s32 $0x4000;
	s13 =	simm.s32 $0x3  }
0x4: {  	s14 =	simm.s32 $0x800;
	s15 =	simm.s32 $0x1000;
	s5 =	sand.u32 $0x1, s1  }
0x5: {  	s16 =	simm.s32 $0x14000;
	s17 =	simm.s32 $0x18000;
	s1 =	sor.u32 s5, s0  }
0x6: {  	s18 =	simm.s32 $0x2;
	p1 =	seq.s32 s5, $0x1;
	p0 =	seq.s32 s1, $0x0  }
0x7: {  	s19 =	simm.s32 $0x0;
	[smem:$0x7FF] =	sst s3;
	p0 =	por !p0, !p1  }
0x8: {  	s30 =	sshll.u32 s5, $0xB;
	s9 =	sshll.u32 s5, $0xD;
	p0 =	por !p0, !p0  }
0x9: {  	s11 =	ssub.s32 $0x2, s5;
	s1 =	rddreg [dreg:$0x2];
	s4 =	simm.s32 @!p0 $0x0  }
0xa: {  	v0 =	vlaneseq.u32;
	_ =	strace $0x80000047;
	s31 =	sshrl.u32 s11, $0x1;
	s7 =	ssub.s32 s0, s4  }
0xb: {  	v1 =	vor.u32 $0x10, v0;
	v2 =	vor.u32 $0x20, v0;
	v3 =	vor.u32 $0x30, v0;
	s11 =	ssub.s32 s11, s31;
	s8 =	sshll.u32 s7, $0xC;
	s7 =	sshll.u32 s7, $0x14  }
0xc: {  	v4 =	vor.u32 $0x40, v0;
	v5 =	vor.u32 $0x50, v0;
	v6 =	vor.u32 $0x60, v0;
	s11 =	smax.u32 s11, $0x1;
	s8 =	sand.u32 $0x1FFFF000, s8;
	s5 =	sor.u32 s30, s7  }
0xd: {  	v7 =	vor.u32 $0x70, v0;
	v8 =	vor.u32 $0x80, v0;
	v9 =	vor.u32 $0x90, v0;
	s10 =	sadd.s32 s8, s6;
	s6 =	sadd.s32 s9, s6;
	s8 =	sshrl.u32 s5, $0x3  }
0xe: {  	v10 =	vor.u32 $0xA0, v0;
	v11 =	vor.u32 $0xB0, v0;
	v12 =	vor.u32 $0xC0, v0;
	s4 =	simm.s32 $0x1;
	s6 =	sadd.s32 $0x400, s6;
	s7 =	sadd.s32 s2, s8  }
0xf: {  	v13 =	vor.u32 $0xD0, v0;
	v14 =	vor.u32 $0xE0, v0;
	v15 =	vor.u32 $0xF0, v0;
	s8 =	sadd.s32 $0x4400, s10;
	s10 =	sadd.s32 $0x4C00, s10;
	s9 =	sadd.s32 $0x1000, s7  }
.LBB2_1:
0x10: {  	[tilespmem:s12], [sflag:$0x1] =	stream.linear.gather [hbm4b:s6+s3], $0x10000, $0x38;
	[tilespmem:$0x1C000] =	vst v63  }
0x11: {  	_ = 	snop  }
0x12: {  	[tilespmem:s3], [sflag:$0x3] =	stream.linear.gather [hbm4b:s8+s3], $0x4000, $0x38;
	[tilespmem:$0x1C000] =	vst v63  }
0x13: {  	_ =	swait.ge [sflag:s13], $0x4000  }
0x14: {  	[sflag:s13] =	ssyncset.done $0x0  }
0x15: {  	[sflag:s13] =	ssyncadd.s32 $0xFFFFC000  }
0x16: {  	_ =	swait.ge [sflag:s4], $0x10000  }
0x17: {  	s20 =	simm.s32 $0xFFFFFFF8;
	[sflag:s4] =	ssyncset.done $0x0  }
0x18: {  	s21 =	simm.s32 $0x14400;
	s22 =	simm.s32 $0x40;
	[sflag:s4] =	ssyncadd.s32 $0xFFFF0000  }
.LBB2_2:
0x19: {  	v16 =	vld [tilespmem:s22+$0xFFFFFFC0];
	_ =	sdelay $0x4  }
0x1a: {  	v17 =	vadd.s32 v0, v16  }
0x1b: {  	v18 =	vadd.s32 v1, v16  }
0x1c: {  	v19 =	vadd.s32 v2, v16  }
0x1d: {  	v20 =	vadd.s32 v3, v16  }
0x1e: {  	v29 =	vld [tilespmem:s22+$0xFFFFFFD0];
	v21 =	vadd.s32 v4, v16  }
0x1f: {  	v22 =	vadd.s32 v5, v16;
	v17 =	vld.idx.msk [tilespmem:v17+s12+$0x0], $0xffff  }
0x20: {  	v23 =	vadd.s32 v6, v16;
	v18 =	vld.idx.msk [tilespmem:v18+s12+$0x0], $0xffff  }
0x21: {  	v24 =	vadd.s32 v7, v16;
	v19 =	vld.idx.msk [tilespmem:v19+s12+$0x0], $0xffff  }
0x22: {  	v25 =	vadd.s32 v8, v16;
	v20 =	vld.idx.msk [tilespmem:v20+s12+$0x0], $0xffff  }
0x23: {  	v26 =	vadd.s32 v9, v16;
	v21 =	vld.idx.msk [tilespmem:v21+s12+$0x0], $0xffff  }
0x24: {  	v27 =	vadd.s32 v10, v16;
	v22 =	vld.idx.msk [tilespmem:v22+s12+$0x0], $0xffff  }
0x25: {  	v30 =	vadd.s32 v12, v16;
	v23 =	vld.idx.msk [tilespmem:v23+s12+$0x0], $0xffff  }
0x26: {  	v31 =	vadd.s32 v13, v16;
	v24 =	vld.idx.msk [tilespmem:v24+s12+$0x0], $0xffff  }
0x27: {  	v32 =	vadd.s32 v14, v16;
	v25 =	vld.idx.msk [tilespmem:v25+s12+$0x0], $0xffff  }
0x28: {  	v28 =	vadd.s32 v11, v16;
	v16 =	vadd.s32 v15, v16;
	v26 =	vld.idx.msk [tilespmem:v26+s12+$0x0], $0xffff  }
0x29: {  	v42 =	vadd.s32 v0, v29;
	v27 =	vld.idx.msk [tilespmem:v27+s12+$0x0], $0xffff  }
0x2a: {  	v44 =	vadd.s32 v1, v29;
	v43 =	vld.idx.msk [tilespmem:v30+s12+$0x0], $0xffff;
	[tilespmem:s21+$0xFFFFFC00] =	vst v17  }
0x2b: {  	v46 =	vadd.s32 v2, v29;
	v45 =	vld.idx.msk [tilespmem:v31+s12+$0x0], $0xffff;
	[tilespmem:s21+$0xFFFFFC10] =	vst v18  }
0x2c: {  	v48 =	vadd.s32 v3, v29;
	v47 =	vld.idx.msk [tilespmem:v32+s12+$0x0], $0xffff;
	[tilespmem:s21+$0xFFFFFC20] =	vst v19  }
0x2d: {  	v51 =	vadd.s32 v5, v29;
	v16 =	vld.idx.msk [tilespmem:v16+s12+$0x0], $0xffff;
	[tilespmem:s21+$0xFFFFFC30] =	vst v20  }
0x2e: {  	v50 =	vld.idx.msk [tilespmem:v42+s12+$0x0], $0xffff;
	[tilespmem:s21+$0xFFFFFC40] =	vst v21  }
0x2f: {  	v56 =	vadd.s32 v7, v29;
	v52 =	vld.idx.msk [tilespmem:v44+s12+$0x0], $0xffff;
	[tilespmem:s21+$0xFFFFFC50] =	vst v22  }
0x30: {  	v57 =	vadd.s32 v8, v29;
	v54 =	vld.idx.msk [tilespmem:v46+s12+$0x0], $0xffff;
	[tilespmem:s21+$0xFFFFFC60] =	vst v23  }
0x31: {  	v60 =	vadd.s32 v10, v29;
	v55 =	vld.idx.msk [tilespmem:v48+s12+$0x0], $0xffff;
	[tilespmem:s21+$0xFFFFFC70] =	vst v24  }
0x32: {  	v63 =	vadd.s32 v12, v29;
	v58 =	vld.idx.msk [tilespmem:v51+s12+$0x0], $0xffff;
	[tilespmem:s21+$0x0] =	vst v25  }
0x33: {  	v49 =	vadd.s32 v4, v29;
	v53 =	vadd.s32 v6, v29;
	v34 =	vadd.s32 v13, v29;
	v32 =	vld [tilespmem:s22+$0xFFFFFFE0];
	[tilespmem:s21+$0x10] =	vst v26  }
0x34: {  	v59 =	vadd.s32 v9, v29;
	v35 =	vadd.s32 v14, v29;
	v62 =	vld.idx.msk [tilespmem:v56+s12+$0x0], $0xffff;
	[tilespmem:s21+$0x20] =	vst v27  }
0x35: {  	v61 =	vadd.s32 v11, v29;
	v29 =	vadd.s32 v15, v29;
	v33 =	vld.idx.msk [tilespmem:v57+s12+$0x0], $0xffff;
	[tilespmem:s21+$0x40] =	vst v43  }
0x36: {  	v36 =	vld.idx.msk [tilespmem:v60+s12+$0x0], $0xffff;
	[tilespmem:s21+$0x50] =	vst v45  }
0x37: {  	v38 =	vld.idx.msk [tilespmem:v63+s12+$0x0], $0xffff;
	[tilespmem:s21+$0x60] =	vst v47  }
0x38: {  	v40 =	vld.idx.msk [tilespmem:v34+s12+$0x0], $0xffff;
	[tilespmem:s21+$0x70] =	vst v16  }
0x39: {  	v42 =	vld.idx.msk [tilespmem:v35+s12+$0x0], $0xffff;
	[tilespmem:s21+$0xFFFFFC80] =	vst v50  }
0x3a: {  	v44 =	vld.idx.msk [tilespmem:v29+s12+$0x0], $0xffff;
	[tilespmem:s21+$0xFFFFFC90] =	vst v52  }
0x3b: {  	v30 =	vld [tilespmem:s22+$0xFFFFFFF0];
	[tilespmem:s21+$0xFFFFFCA0] =	vst v54  }
0x3c: {  	v17 =	vld.idx.msk [tilespmem:v28+s12+$0x0], $0xffff;
	[tilespmem:s21+$0xFFFFFCB0] =	vst v55  }
0x3d: {  	v21 =	vld.idx.msk [tilespmem:v49+s12+$0x0], $0xffff;
	v39 =	vadd.s32 v1, v32;
	[tilespmem:s21+$0xFFFFFCD0] =	vst v58  }
0x3e: {  	v16 =	vld.idx.msk [tilespmem:v59+s12+$0x0], $0xffff;
	v41 =	vadd.s32 v2, v32;
	[tilespmem:s21+$0xFFFFFCF0] =	vst v62  }
0x3f: {  	v18 =	vld.idx.msk [tilespmem:v61+s12+$0x0], $0xffff;
	v43 =	vadd.s32 v3, v32;
	[tilespmem:s21+$0x80] =	vst v33  }
0x40: {  	v45 =	vadd.s32 v4, v32;
	[tilespmem:s21+$0xA0] =	vst v36;
	v28 =	vld [tilespmem:s22+$0x10]  }
0x41: {  	v46 =	vadd.s32 v5, v32;
	[tilespmem:s21+$0x30] =	vst v17;
	v17 =	vld.idx.msk [tilespmem:v53+s12+$0x0], $0xffff  }
0x42: {  	v48 =	vadd.s32 v6, v32;
	[tilespmem:s21+$0xC0] =	vst v38;
	v47 =	vld.idx.msk [tilespmem:v39+s12+$0x0], $0xffff  }
0x43: {  	v50 =	vadd.s32 v7, v32;
	[tilespmem:s21+$0xD0] =	vst v40;
	v49 =	vld.idx.msk [tilespmem:v41+s12+$0x0], $0xffff  }
0x44: {  	v52 =	vadd.s32 v8, v32;
	[tilespmem:s21+$0x90] =	vst v16;
	v16 =	vld.idx.msk [tilespmem:v43+s12+$0x0], $0xffff  }
0x45: {  	v56 =	vadd.s32 v10, v32;
	[tilespmem:s21+$0xE0] =	vst v42;
	v51 =	vld.idx.msk [tilespmem:v45+s12+$0x0], $0xffff  }
0x46: {  	v57 =	vadd.s32 v11, v32;
	[tilespmem:s21+$0xF0] =	vst v44;
	v53 =	vld.idx.msk [tilespmem:v46+s12+$0x0], $0xffff  }
0x47: {  	v62 =	vadd.s32 v14, v32;
	[tilespmem:s21+$0xFFFFFCC0] =	vst v21;
	v55 =	vld.idx.msk [tilespmem:v48+s12+$0x0], $0xffff  }
0x48: {  	v33 =	vadd.s32 v15, v32;
	[tilespmem:s21+$0xB0] =	vst v18;
	v58 =	vld.idx.msk [tilespmem:v50+s12+$0x0], $0xffff  }
0x49: {  	v35 =	vadd.s32 v0, v30;
	v60 =	vld.idx.msk [tilespmem:v52+s12+$0x0], $0xffff;
	[tilespmem:s21+$0xFFFFFCE0] =	vst v17  }
0x4a: {  	v36 =	vadd.s32 v1, v30;
	v63 =	vld.idx.msk [tilespmem:v56+s12+$0x0], $0xffff;
	[tilespmem:s21+$0xFFFFFD10] =	vst v47  }
0x4b: {  	v40 =	vadd.s32 v3, v30;
	v34 =	vld.idx.msk [tilespmem:v57+s12+$0x0], $0xffff;
	[tilespmem:s21+$0xFFFFFD20] =	vst v49  }
0x4c: {  	v42 =	vadd.s32 v4, v30;
	v39 =	vld.idx.msk [tilespmem:v62+s12+$0x0], $0xffff;
	[tilespmem:s21+$0xFFFFFD30] =	vst v16  }
0x4d: {  	v37 =	vadd.s32 v0, v32;
	v41 =	vld.idx.msk [tilespmem:v33+s12+$0x0], $0xffff;
	[tilespmem:s21+$0xFFFFFD40] =	vst v51  }
0x4e: {  	v59 =	vadd.s32 v12, v32;
	v43 =	vld.idx.msk [tilespmem:v35+s12+$0x0], $0xffff;
	[tilespmem:s21+$0xFFFFFD50] =	vst v53  }
0x4f: {  	v61 =	vadd.s32 v13, v32;
	v26 =	vld.idx.msk [tilespmem:v36+s12+$0x0], $0xffff;
	[tilespmem:s21+$0xFFFFFD60] =	vst v55  }
0x50: {  	v45 =	vadd.s32 v6, v30;
	v46 =	vld.idx.msk [tilespmem:v40+s12+$0x0], $0xffff;
	[tilespmem:s21+$0xFFFFFD70] =	vst v58  }
0x51: {  	v48 =	vld.idx.msk [tilespmem:v42+s12+$0x0], $0xffff;
	v50 =	vadd.s32 v9, v30;
	[tilespmem:s21+$0x100] =	vst v60  }
0x52: {  	v54 =	vadd.s32 v9, v32;
	v17 =	vld.idx.msk [tilespmem:v37+s12+$0x0], $0xffff;
	[tilespmem:s21+$0x120] =	vst v63  }
0x53: {  	v44 =	vadd.s32 v5, v30;
	v16 =	vld.idx.msk [tilespmem:v59+s12+$0x0], $0xffff;
	[tilespmem:s21+$0x130] =	vst v34  }
0x54: {  	v37 =	vld.idx.msk [tilespmem:v61+s12+$0x0], $0xffff;
	[tilespmem:s21+$0x160] =	vst v39  }
0x55: {  	v47 =	vadd.s32 v7, v30;
	v51 =	vld.idx.msk [tilespmem:v45+s12+$0x0], $0xffff;
	[tilespmem:s21+$0x170] =	vst v41  }
0x56: {  	v49 =	vadd.s32 v8, v30;
	[tilespmem:s21+$0xFFFFFD80] =	vst v43;
	v25 =	vld.idx.msk [tilespmem:v50+s12+$0x0], $0xffff  }
0x57: {  	v53 =	vadd.s32 v11, v30;
	[tilespmem:s21+$0xFFFFFD00] =	vst v17;
	v17 =	vld.idx.msk [tilespmem:v54+s12+$0x0], $0xffff  }
0x58: {  	v38 =	vadd.s32 v2, v30;
	[tilespmem:s21+$0x140] =	vst v16;
	v16 =	vld.idx.msk [tilespmem:v44+s12+$0x0], $0xffff  }
0x59: {  	v55 =	vadd.s32 v12, v30;
	[tilespmem:s21+$0xFFFFFD90] =	vst v26;
	v54 =	vld [tilespmem:s22+$0x0]  }
0x5a: {  	v58 =	vadd.s32 v14, v30;
	[tilespmem:s21+$0xFFFFFDB0] =	vst v46;
	v23 =	vld.idx.msk [tilespmem:v47+s12+$0x0], $0xffff  }
0x5b: {  	v59 =	vadd.s32 v15, v30;
	[tilespmem:s21+$0xFFFFFDC0] =	vst v48;
	v56 =	vld.idx.msk [tilespmem:v49+s12+$0x0], $0xffff  }
0x5c: {  	v57 =	vadd.s32 v13, v30;
	[tilespmem:s21+$0x150] =	vst v37;
	v18 =	vld.idx.msk [tilespmem:v53+s12+$0x0], $0xffff  }
0x5d: {  	v52 =	vadd.s32 v10, v30;
	[tilespmem:s21+$0x110] =	vst v17;
	v17 =	vld.idx.msk [tilespmem:v38+s12+$0x0], $0xffff  }
0x5e: {  	v61 =	vld.idx.msk [tilespmem:v55+s12+$0x0], $0xffff;
	[tilespmem:s21+$0xFFFFFDE0] =	vst v51;
	v60 =	vadd.s32 v0, v54  }
0x5f: {  	v32 =	vld.idx.msk [tilespmem:v58+s12+$0x0], $0xffff;
	[tilespmem:s21+$0x190] =	vst v25;
	v62 =	vadd.s32 v1, v54  }
0x60: {  	v34 =	vld.idx.msk [tilespmem:v59+s12+$0x0], $0xffff;
	[tilespmem:s21+$0xFFFFFDD0] =	vst v16;
	v33 =	vadd.s32 v3, v54  }
0x61: {  	v16 =	vld.idx.msk [tilespmem:v57+s12+$0x0], $0xffff;
	[tilespmem:s21+$0xFFFFFDF0] =	vst v23;
	v35 =	vadd.s32 v4, v54  }
0x62: {  	v36 =	vadd.s32 v5, v54;
	[tilespmem:s21+$0xFFFFFDA0] =	vst v17;
	v17 =	vld.idx.msk [tilespmem:v52+s12+$0x0], $0xffff  }
0x63: {  	[tilespmem:s21+$0x180] =	vst v56;
	v37 =	vadd.s32 v6, v54;
	v19 =	vld.idx.msk [tilespmem:v60+s12+$0x0], $0xffff  }
0x64: {  	[tilespmem:s21+$0x1B0] =	vst v18;
	v39 =	vadd.s32 v7, v54;
	v24 =	vld.idx.msk [tilespmem:v62+s12+$0x0], $0xffff  }
0x65: {  	[tilespmem:s21+$0x1C0] =	vst v61;
	v41 =	vadd.s32 v8, v54;
	v38 =	vld.idx.msk [tilespmem:v33+s12+$0x0], $0xffff  }
0x66: {  	[tilespmem:s21+$0x1E0] =	vst v32;
	v44 =	vadd.s32 v10, v54;
	v40 =	vld.idx.msk [tilespmem:v35+s12+$0x0], $0xffff  }
0x67: {  	v45 =	vadd.s32 v11, v54;
	[tilespmem:s21+$0x1D0] =	vst v16;
	v16 =	vld.idx.msk [tilespmem:v36+s12+$0x0], $0xffff  }
0x68: {  	v63 =	vadd.s32 v2, v54;
	[tilespmem:s21+$0x1F0] =	vst v34;
	v43 =	vld.idx.msk [tilespmem:v37+s12+$0x0], $0xffff  }
0x69: {  	v49 =	vadd.s32 v13, v54;
	v46 =	vld.idx.msk [tilespmem:v39+s12+$0x0], $0xffff;
	[tilespmem:s21+$0x1A0] =	vst v17  }
0x6a: {  	v50 =	vadd.s32 v14, v54;
	v48 =	vld.idx.msk [tilespmem:v41+s12+$0x0], $0xffff;
	[tilespmem:s21+$0xFFFFFE00] =	vst v19  }
0x6b: {  	v57 =	vadd.s32 v2, v28;
	v51 =	vld.idx.msk [tilespmem:v44+s12+$0x0], $0xffff;
	[tilespmem:s21+$0xFFFFFE10] =	vst v24  }
0x6c: {  	v61 =	vadd.s32 v4, v28;
	v53 =	vld.idx.msk [tilespmem:v45+s12+$0x0], $0xffff;
	[tilespmem:s21+$0xFFFFFE30] =	vst v38  }
0x6d: {  	v42 =	vadd.s32 v9, v54;
	v17 =	vld.idx.msk [tilespmem:v63+s12+$0x0], $0xffff;
	[tilespmem:s21+$0xFFFFFE40] =	vst v40  }
0x6e: {  	v30 =	vadd.s32 v6, v28;
	v56 =	vld.idx.msk [tilespmem:v49+s12+$0x0], $0xffff;
	[tilespmem:s21+$0xFFFFFE50] =	vst v16  }
0x6f: {  	v58 =	vld.idx.msk [tilespmem:v50+s12+$0x0], $0xffff;
	[tilespmem:s21+$0xFFFFFE60] =	vst v43  }
0x70: {  	v47 =	vadd.s32 v12, v54;
	v31 =	vld.idx.msk [tilespmem:v57+s12+$0x0], $0xffff;
	[tilespmem:s21+$0xFFFFFE70] =	vst v46  }
0x71: {  	v52 =	vadd.s32 v15, v54;
	v33 =	vld.idx.msk [tilespmem:v61+s12+$0x0], $0xffff;
	[tilespmem:s21+$0x200] =	vst v48  }
0x72: {  	v54 =	vadd.s32 v0, v28;
	[tilespmem:s21+$0xFFFFFE20] =	vst v17;
	v17 =	vld.idx.msk [tilespmem:v42+s12+$0x0], $0xffff  }
0x73: {  	v55 =	vadd.s32 v1, v28;
	v37 =	vld.idx.msk [tilespmem:v30+s12+$0x0], $0xffff;
	[tilespmem:s21+$0x220] =	vst v51  }
0x74: {  	v62 =	vadd.s32 v5, v28;
	v39 =	vld [tilespmem:s22+$0x20];
	[tilespmem:s21+$0x230] =	vst v53  }
0x75: {  	v32 =	vadd.s32 v7, v28;
	v16 =	vld.idx.msk [tilespmem:v47+s12+$0x0], $0xffff;
	[tilespmem:s21+$0x250] =	vst v56  }
0x76: {  	v59 =	vadd.s32 v3, v28;
	v60 =	vld.idx.msk [tilespmem:v52+s12+$0x0], $0xffff;
	[tilespmem:s21+$0x260] =	vst v58  }
0x77: {  	v41 =	vadd.s32 v12, v28;
	[tilespmem:s21+$0x210] =	vst v17;
	v17 =	vld.idx.msk [tilespmem:v54+s12+$0x0], $0xffff  }
0x78: {  	v44 =	vadd.s32 v14, v28;
	v63 =	vld.idx.msk [tilespmem:v55+s12+$0x0], $0xffff;
	[tilespmem:s21+$0xFFFFFEA0] =	vst v31  }
0x79: {  	v34 =	vadd.s32 v8, v28;
	v35 =	vld.idx.msk [tilespmem:v62+s12+$0x0], $0xffff;
	[tilespmem:s21+$0xFFFFFEC0] =	vst v33  }
0x7a: {  	v38 =	vadd.s32 v10, v28;
	v40 =	vld.idx.msk [tilespmem:v32+s12+$0x0], $0xffff;
	[tilespmem:s21+$0xFFFFFEE0] =	vst v37  }
0x7b: {  	v36 =	vadd.s32 v9, v28;
	[tilespmem:s21+$0x240] =	vst v16;
	v16 =	vld.idx.msk [tilespmem:v59+s12+$0x0], $0xffff  }
0x7c: {  	v21 =	vld.idx.msk [tilespmem:v41+s12+$0x0], $0xffff;
	[tilespmem:s21+$0xFFFFFE80] =	vst v17;
	v17 =	vadd.s32 v11, v28  }
0x7d: {  	v43 =	vadd.s32 v13, v28;
	v51 =	vld.idx.msk [tilespmem:v44+s12+$0x0], $0xffff;
	[tilespmem:s21+$0x270] =	vst v60  }
0x7e: {  	v47 =	vadd.s32 v0, v39;
	[tilespmem:s21+$0xFFFFFE90] =	vst v63;
	v42 =	vld.idx.msk [tilespmem:v34+s12+$0x0], $0xffff  }
0x7f: {  	v50 =	vadd.s32 v2, v39;
	v45 =	vld.idx.msk [tilespmem:v38+s12+$0x0], $0xffff;
	[tilespmem:s21+$0xFFFFFED0] =	vst v35  }
0x80: {  	v46 =	vadd.s32 v15, v28;
	[tilespmem:s21+$0xFFFFFEB0] =	vst v16;
	v16 =	vld.idx.msk [tilespmem:v36+s12+$0x0], $0xffff  }
0x81: {  	v48 =	vadd.s32 v1, v39;
	[tilespmem:s21+$0xFFFFFEF0] =	vst v40;
	v17 =	vld.idx.msk [tilespmem:v17+s12+$0x0], $0xffff  }
0x82: {  	v52 =	vadd.s32 v3, v39;
	v49 =	vld.idx.msk [tilespmem:v43+s12+$0x0], $0xffff;
	[tilespmem:s21+$0x2C0] =	vst v21  }
0x83: {  	v53 =	vadd.s32 v4, v39;
	v19 =	vld.idx.msk [tilespmem:v47+s12+$0x0], $0xffff;
	[tilespmem:s21+$0x2E0] =	vst v51  }
0x84: {  	v56 =	vld.idx.msk [tilespmem:v50+s12+$0x0], $0xffff;
	[tilespmem:s21+$0x280] =	vst v42  }
0x85: {  	v54 =	vadd.s32 v5, v39;
	[tilespmem:s21+$0x290] =	vst v16;
	v16 =	vld.idx.msk [tilespmem:v46+s12+$0x0], $0xffff  }
0x86: {  	v55 =	vadd.s32 v6, v39;
	[tilespmem:s21+$0x2B0] =	vst v17;
	v17 =	vld.idx.msk [tilespmem:v48+s12+$0x0], $0xffff  }
0x87: {  	v58 =	vadd.s32 v7, v39;
	v57 =	vld.idx.msk [tilespmem:v52+s12+$0x0], $0xffff;
	[tilespmem:s21+$0x2A0] =	vst v45  }
0x88: {  	v61 =	vadd.s32 v9, v39;
	v59 =	vld.idx.msk [tilespmem:v53+s12+$0x0], $0xffff;
	[tilespmem:s21+$0x2D0] =	vst v49  }
0x89: {  	v30 =	vadd.s32 v12, v39;
	[tilespmem:s21+$0xFFFFFF00] =	vst v19;
	v28 =	vld [tilespmem:s22+$0x30]  }
0x8a: {  	v63 =	vadd.s32 v10, v39;
	[tilespmem:s21+$0x2F0] =	vst v16;
	v16 =	vld.idx.msk [tilespmem:v54+s12+$0x0], $0xffff  }
0x8b: {  	v62 =	vld.idx.msk [tilespmem:v55+s12+$0x0], $0xffff;
	[tilespmem:s21+$0xFFFFFF10] =	vst v17;
	v17 =	vadd.s32 v11, v39  }
0x8c: {  	v60 =	vadd.s32 v8, v39;
	v29 =	vld.idx.msk [tilespmem:v58+s12+$0x0], $0xffff;
	[tilespmem:s21+$0xFFFFFF20] =	vst v56  }
0x8d: {  	v33 =	vld.idx.msk [tilespmem:v61+s12+$0x0], $0xffff;
	v34 =	vadd.s32 v14, v39;
	[tilespmem:s21+$0xFFFFFF30] =	vst v57  }
0x8e: {  	v37 =	vld.idx.msk [tilespmem:v30+s12+$0x0], $0xffff;
	[tilespmem:s21+$0xFFFFFF40] =	vst v59;
	v38 =	vadd.s32 v1, v28  }
0x8f: {  	v35 =	vadd.s32 v15, v39;
	[tilespmem:s21+$0xFFFFFF50] =	vst v16;
	v16 =	vld.idx.msk [tilespmem:v63+s12+$0x0], $0xffff  }
0x90: {  	[tilespmem:s21+$0xFFFFFF60] =	vst v62;
	v36 =	vadd.s32 v0, v28;
	v17 =	vld.idx.msk [tilespmem:v17+s12+$0x0], $0xffff  }
0x91: {  	v31 =	vld.idx.msk [tilespmem:v60+s12+$0x0], $0xffff;
	[tilespmem:s21+$0xFFFFFF70] =	vst v29;
	v40 =	vadd.s32 v2, v28  }
0x92: {  	[tilespmem:s21+$0x310] =	vst v33;
	v41 =	vld.idx.msk [tilespmem:v34+s12+$0x0], $0xffff;
	v42 =	vadd.s32 v3, v28  }
0x93: {  	[tilespmem:s21+$0x340] =	vst v37;
	v46 =	vadd.s32 v6, v28;
	v45 =	vld.idx.msk [tilespmem:v38+s12+$0x0], $0xffff  }
0x94: {  	v43 =	vadd.s32 v4, v28;
	[tilespmem:s21+$0x320] =	vst v16;
	v16 =	vld.idx.msk [tilespmem:v35+s12+$0x0], $0xffff  }
0x95: {  	v44 =	vadd.s32 v5, v28;
	[tilespmem:s21+$0x330] =	vst v17;
	v17 =	vld.idx.msk [tilespmem:v36+s12+$0x0], $0xffff  }
0x96: {  	[tilespmem:s21+$0x300] =	vst v31;
	v50 =	vadd.s32 v8, v28;
	v47 =	vld.idx.msk [tilespmem:v40+s12+$0x0], $0xffff  }
0x97: {  	[tilespmem:s21+$0x360] =	vst v41;
	v54 =	vadd.s32 v11, v28;
	v49 =	vld.idx.msk [tilespmem:v42+s12+$0x0], $0xffff  }
0x98: {  	v56 =	vadd.s32 v12, v28;
	v53 =	vld.idx.msk [tilespmem:v46+s12+$0x0], $0xffff;
	[tilespmem:s21+$0xFFFFFF90] =	vst v45  }
0x99: {  	v51 =	vadd.s32 v9, v28;
	[tilespmem:s21+$0x370] =	vst v16;
	v16 =	vld.idx.msk [tilespmem:v43+s12+$0x0], $0xffff  }
0x9a: {  	v52 =	vadd.s32 v10, v28;
	[tilespmem:s21+$0xFFFFFF80] =	vst v17;
	v17 =	vld.idx.msk [tilespmem:v44+s12+$0x0], $0xffff  }
0x9b: {  	v58 =	vadd.s32 v13, v28;
	v57 =	vld.idx.msk [tilespmem:v50+s12+$0x0], $0xffff;
	[tilespmem:s21+$0xFFFFFFA0] =	vst v47  }
0x9c: {  	v32 =	vadd.s32 v13, v39;
	v61 =	vld.idx.msk [tilespmem:v54+s12+$0x0], $0xffff;
	[tilespmem:s21+$0xFFFFFFB0] =	vst v49  }
0x9d: {  	v48 =	vadd.s32 v7, v28;
	v62 =	vld.idx.msk [tilespmem:v56+s12+$0x0], $0xffff;
	[tilespmem:s21+$0xFFFFFFE0] =	vst v53  }
0x9e: {  	v59 =	vadd.s32 v14, v28;
	[tilespmem:s21+$0xFFFFFFC0] =	vst v16;
	v16 =	vld.idx.msk [tilespmem:v51+s12+$0x0], $0xffff  }
0x9f: {  	v60 =	vadd.s32 v15, v28;
	[tilespmem:s21+$0xFFFFFFD0] =	vst v17;
	v17 =	vld.idx.msk [tilespmem:v52+s12+$0x0], $0xffff  }
0xa0: {  	v63 =	vld.idx.msk [tilespmem:v58+s12+$0x0], $0xffff;
	[tilespmem:s21+$0x380] =	vst v57  }
0xa1: {  	v39 =	vld.idx.msk [tilespmem:v32+s12+$0x0], $0xffff;
	[tilespmem:s21+$0x3B0] =	vst v61  }
0xa2: {  	v55 =	vld.idx.msk [tilespmem:v48+s12+$0x0], $0xffff;
	[tilespmem:s21+$0x3C0] =	vst v62  }
0xa3: {  	s20 =	sadd.s32 $0x8, s20;
	[tilespmem:s21+$0x390] =	vst v16;
	v16 =	vld.idx.msk [tilespmem:v59+s12+$0x0], $0xffff  }
0xa4: {  	p0 =	slt.u32 s20, $0x38;
	[tilespmem:s21+$0x3A0] =	vst v17;
	v17 =	vld.idx.msk [tilespmem:v60+s12+$0x0], $0xffff  }
.Ltmp0:
0xa5: {  	[tilespmem:s21+$0x3D0] =	vst v63;
	(pc) =	sbr.rel @p0 .LBB2_2-.Ltmp0, $4  }
0xa6: {  	[tilespmem:s21+$0x350] =	vst v39  }
0xa7: {  	[tilespmem:s21+$0xFFFFFFF0] =	vst v55  }
0xa8: {  	[tilespmem:s21+$0x3E0] =	vst v16  }
0xa9: {  	s22 =	sadd.s32 $0x80, s22;
	[tilespmem:s21+$0x3F0] =	vst v17;
	s21 =	sadd.s32 $0x800, s21  }
0xaa: {  	[hbm4b:s7+s14] =	stream.strided.scatter [tilespmem:s16], [sflag:$0x2], $0x4000, s15, s14, $0x38;
	[tilespmem:$0x1C000] =	vst v63  }
0xab: {  	s20 =	simm.s32 $0xFFFFFFF8;
	s21 =	simm.s32 $0x18400;
	s22 =	simm.s32 $0x470  }
.LBB2_4:
0xac: {  	v16 =	vld [tilespmem:s22+$0xFFFFFF90];
	_ =	sdelay $0x4  }
0xad: {  	v17 =	vadd.s32 v0, v16  }
0xae: {  	v18 =	vadd.s32 v1, v16  }
0xaf: {  	v19 =	vadd.s32 v2, v16  }
0xb0: {  	v20 =	vadd.s32 v3, v16  }
0xb1: {  	v29 =	vld [tilespmem:s22+$0xFFFFFFA0];
	v21 =	vadd.s32 v4, v16  }
0xb2: {  	v22 =	vadd.s32 v5, v16;
	v17 =	vld.idx.msk [tilespmem:v17+s12+$0x0], $0xffff  }
0xb3: {  	v23 =	vadd.s32 v6, v16;
	v18 =	vld.idx.msk [tilespmem:v18+s12+$0x0], $0xffff  }
0xb4: {  	v24 =	vadd.s32 v7, v16;
	v19 =	vld.idx.msk [tilespmem:v19+s12+$0x0], $0xffff  }
0xb5: {  	v25 =	vadd.s32 v8, v16;
	v20 =	vld.idx.msk [tilespmem:v20+s12+$0x0], $0xffff  }
0xb6: {  	v26 =	vadd.s32 v9, v16;
	v21 =	vld.idx.msk [tilespmem:v21+s12+$0x0], $0xffff  }
0xb7: {  	v27 =	vadd.s32 v10, v16;
	v22 =	vld.idx.msk [tilespmem:v22+s12+$0x0], $0xffff  }
0xb8: {  	v30 =	vadd.s32 v12, v16;
	v23 =	vld.idx.msk [tilespmem:v23+s12+$0x0], $0xffff  }
0xb9: {  	v31 =	vadd.s32 v13, v16;
	v24 =	vld.idx.msk [tilespmem:v24+s12+$0x0], $0xffff  }
0xba: {  	v32 =	vadd.s32 v14, v16;
	v25 =	vld.idx.msk [tilespmem:v25+s12+$0x0], $0xffff  }
0xbb: {  	v28 =	vadd.s32 v11, v16;
	v16 =	vadd.s32 v15, v16;
	v26 =	vld.idx.msk [tilespmem:v26+s12+$0x0], $0xffff  }
0xbc: {  	v42 =	vadd.s32 v0, v29;
	v27 =	vld.idx.msk [tilespmem:v27+s12+$0x0], $0xffff  }
0xbd: {  	v44 =	vadd.s32 v1, v29;
	v43 =	vld.idx.msk [tilespmem:v30+s12+$0x0], $0xffff;
	[tilespmem:s21+$0xFFFFFC00] =	vst v17  }
0xbe: {  	v46 =	vadd.s32 v2, v29;
	v45 =	vld.idx.msk [tilespmem:v31+s12+$0x0], $0xffff;
	[tilespmem:s21+$0xFFFFFC10] =	vst v18  }
0xbf: {  	v48 =	vadd.s32 v3, v29;
	v47 =	vld.idx.msk [tilespmem:v32+s12+$0x0], $0xffff;
	[tilespmem:s21+$0xFFFFFC20] =	vst v19  }
0xc0: {  	v51 =	vadd.s32 v5, v29;
	v16 =	vld.idx.msk [tilespmem:v16+s12+$0x0], $0xffff;
	[tilespmem:s21+$0xFFFFFC30] =	vst v20  }
0xc1: {  	v50 =	vld.idx.msk [tilespmem:v42+s12+$0x0], $0xffff;
	[tilespmem:s21+$0xFFFFFC40] =	vst v21  }
0xc2: {  	v56 =	vadd.s32 v7, v29;
	v52 =	vld.idx.msk [tilespmem:v44+s12+$0x0], $0xffff;
	[tilespmem:s21+$0xFFFFFC50] =	vst v22  }
0xc3: {  	v57 =	vadd.s32 v8, v29;
	v54 =	vld.idx.msk [tilespmem:v46+s12+$0x0], $0xffff;
	[tilespmem:s21+$0xFFFFFC60] =	vst v23  }
0xc4: {  	v60 =	vadd.s32 v10, v29;
	v55 =	vld.idx.msk [tilespmem:v48+s12+$0x0], $0xffff;
	[tilespmem:s21+$0xFFFFFC70] =	vst v24  }
0xc5: {  	v63 =	vadd.s32 v12, v29;
	v58 =	vld.idx.msk [tilespmem:v51+s12+$0x0], $0xffff;
	[tilespmem:s21+$0x0] =	vst v25  }
0xc6: {  	v49 =	vadd.s32 v4, v29;
	v53 =	vadd.s32 v6, v29;
	v34 =	vadd.s32 v13, v29;
	v32 =	vld [tilespmem:s22+$0xFFFFFFB0];
	[tilespmem:s21+$0x10] =	vst v26  }
0xc7: {  	v59 =	vadd.s32 v9, v29;
	v35 =	vadd.s32 v14, v29;
	v62 =	vld.idx.msk [tilespmem:v56+s12+$0x0], $0xffff;
	[tilespmem:s21+$0x20] =	vst v27  }
0xc8: {  	v61 =	vadd.s32 v11, v29;
	v29 =	vadd.s32 v15, v29;
	v33 =	vld.idx.msk [tilespmem:v57+s12+$0x0], $0xffff;
	[tilespmem:s21+$0x40] =	vst v43  }
0xc9: {  	v36 =	vld.idx.msk [tilespmem:v60+s12+$0x0], $0xffff;
	[tilespmem:s21+$0x50] =	vst v45  }
0xca: {  	v38 =	vld.idx.msk [tilespmem:v63+s12+$0x0], $0xffff;
	[tilespmem:s21+$0x60] =	vst v47  }
0xcb: {  	v40 =	vld.idx.msk [tilespmem:v34+s12+$0x0], $0xffff;
	[tilespmem:s21+$0x70] =	vst v16  }
0xcc: {  	v42 =	vld.idx.msk [tilespmem:v35+s12+$0x0], $0xffff;
	[tilespmem:s21+$0xFFFFFC80] =	vst v50  }
0xcd: {  	v44 =	vld.idx.msk [tilespmem:v29+s12+$0x0], $0xffff;
	[tilespmem:s21+$0xFFFFFC90] =	vst v52  }
0xce: {  	v30 =	vld [tilespmem:s22+$0xFFFFFFC0];
	[tilespmem:s21+$0xFFFFFCA0] =	vst v54  }
0xcf: {  	v17 =	vld.idx.msk [tilespmem:v28+s12+$0x0], $0xffff;
	[tilespmem:s21+$0xFFFFFCB0] =	vst v55  }
0xd0: {  	v21 =	vld.idx.msk [tilespmem:v49+s12+$0x0], $0xffff;
	v39 =	vadd.s32 v1, v32;
	[tilespmem:s21+$0xFFFFFCD0] =	vst v58  }
0xd1: {  	v16 =	vld.idx.msk [tilespmem:v59+s12+$0x0], $0xffff;
	v41 =	vadd.s32 v2, v32;
	[tilespmem:s21+$0xFFFFFCF0] =	vst v62  }
0xd2: {  	v18 =	vld.idx.msk [tilespmem:v61+s12+$0x0], $0xffff;
	v43 =	vadd.s32 v3, v32;
	[tilespmem:s21+$0x80] =	vst v33  }
0xd3: {  	v45 =	vadd.s32 v4, v32;
	[tilespmem:s21+$0xA0] =	vst v36;
	v28 =	vld [tilespmem:s22+$0xFFFFFFE0]  }
0xd4: {  	v46 =	vadd.s32 v5, v32;
	[tilespmem:s21+$0x30] =	vst v17;
	v17 =	vld.idx.msk [tilespmem:v53+s12+$0x0], $0xffff  }
0xd5: {  	v48 =	vadd.s32 v6, v32;
	[tilespmem:s21+$0xC0] =	vst v38;
	v47 =	vld.idx.msk [tilespmem:v39+s12+$0x0], $0xffff  }
0xd6: {  	v50 =	vadd.s32 v7, v32;
	[tilespmem:s21+$0xD0] =	vst v40;
	v49 =	vld.idx.msk [tilespmem:v41+s12+$0x0], $0xffff  }
0xd7: {  	v52 =	vadd.s32 v8, v32;
	[tilespmem:s21+$0x90] =	vst v16;
	v16 =	vld.idx.msk [tilespmem:v43+s12+$0x0], $0xffff  }
0xd8: {  	v56 =	vadd.s32 v10, v32;
	[tilespmem:s21+$0xE0] =	vst v42;
	v51 =	vld.idx.msk [tilespmem:v45+s12+$0x0], $0xffff  }
0xd9: {  	v57 =	vadd.s32 v11, v32;
	[tilespmem:s21+$0xF0] =	vst v44;
	v53 =	vld.idx.msk [tilespmem:v46+s12+$0x0], $0xffff  }
0xda: {  	v62 =	vadd.s32 v14, v32;
	[tilespmem:s21+$0xFFFFFCC0] =	vst v21;
	v55 =	vld.idx.msk [tilespmem:v48+s12+$0x0], $0xffff  }
0xdb: {  	v33 =	vadd.s32 v15, v32;
	[tilespmem:s21+$0xB0] =	vst v18;
	v58 =	vld.idx.msk [tilespmem:v50+s12+$0x0], $0xffff  }
0xdc: {  	v35 =	vadd.s32 v0, v30;
	v60 =	vld.idx.msk [tilespmem:v52+s12+$0x0], $0xffff;
	[tilespmem:s21+$0xFFFFFCE0] =	vst v17  }
0xdd: {  	v36 =	vadd.s32 v1, v30;
	v63 =	vld.idx.msk [tilespmem:v56+s12+$0x0], $0xffff;
	[tilespmem:s21+$0xFFFFFD10] =	vst v47  }
0xde: {  	v40 =	vadd.s32 v3, v30;
	v34 =	vld.idx.msk [tilespmem:v57+s12+$0x0], $0xffff;
	[tilespmem:s21+$0xFFFFFD20] =	vst v49  }
0xdf: {  	v42 =	vadd.s32 v4, v30;
	v39 =	vld.idx.msk [tilespmem:v62+s12+$0x0], $0xffff;
	[tilespmem:s21+$0xFFFFFD30] =	vst v16  }
0xe0: {  	v37 =	vadd.s32 v0, v32;
	v41 =	vld.idx.msk [tilespmem:v33+s12+$0x0], $0xffff;
	[tilespmem:s21+$0xFFFFFD40] =	vst v51  }
0xe1: {  	v59 =	vadd.s32 v12, v32;
	v43 =	vld.idx.msk [tilespmem:v35+s12+$0x0], $0xffff;
	[tilespmem:s21+$0xFFFFFD50] =	vst v53  }
0xe2: {  	v61 =	vadd.s32 v13, v32;
	v26 =	vld.idx.msk [tilespmem:v36+s12+$0x0], $0xffff;
	[tilespmem:s21+$0xFFFFFD60] =	vst v55  }
0xe3: {  	v45 =	vadd.s32 v6, v30;
	v46 =	vld.idx.msk [tilespmem:v40+s12+$0x0], $0xffff;
	[tilespmem:s21+$0xFFFFFD70] =	vst v58  }
0xe4: {  	v48 =	vld.idx.msk [tilespmem:v42+s12+$0x0], $0xffff;
	v50 =	vadd.s32 v9, v30;
	[tilespmem:s21+$0x100] =	vst v60  }
0xe5: {  	v54 =	vadd.s32 v9, v32;
	v17 =	vld.idx.msk [tilespmem:v37+s12+$0x0], $0xffff;
	[tilespmem:s21+$0x120] =	vst v63  }
0xe6: {  	v44 =	vadd.s32 v5, v30;
	v16 =	vld.idx.msk [tilespmem:v59+s12+$0x0], $0xffff;
	[tilespmem:s21+$0x130] =	vst v34  }
0xe7: {  	v37 =	vld.idx.msk [tilespmem:v61+s12+$0x0], $0xffff;
	[tilespmem:s21+$0x160] =	vst v39  }
0xe8: {  	v47 =	vadd.s32 v7, v30;
	v51 =	vld.idx.msk [tilespmem:v45+s12+$0x0], $0xffff;
	[tilespmem:s21+$0x170] =	vst v41  }
0xe9: {  	v49 =	vadd.s32 v8, v30;
	[tilespmem:s21+$0xFFFFFD80] =	vst v43;
	v25 =	vld.idx.msk [tilespmem:v50+s12+$0x0], $0xffff  }
0xea: {  	v53 =	vadd.s32 v11, v30;
	[tilespmem:s21+$0xFFFFFD00] =	vst v17;
	v17 =	vld.idx.msk [tilespmem:v54+s12+$0x0], $0xffff  }
0xeb: {  	v38 =	vadd.s32 v2, v30;
	[tilespmem:s21+$0x140] =	vst v16;
	v16 =	vld.idx.msk [tilespmem:v44+s12+$0x0], $0xffff  }
0xec: {  	v55 =	vadd.s32 v12, v30;
	[tilespmem:s21+$0xFFFFFD90] =	vst v26;
	v54 =	vld [tilespmem:s22+$0xFFFFFFD0]  }
0xed: {  	v58 =	vadd.s32 v14, v30;
	[tilespmem:s21+$0xFFFFFDB0] =	vst v46;
	v23 =	vld.idx.msk [tilespmem:v47+s12+$0x0], $0xffff  }
0xee: {  	v59 =	vadd.s32 v15, v30;
	[tilespmem:s21+$0xFFFFFDC0] =	vst v48;
	v56 =	vld.idx.msk [tilespmem:v49+s12+$0x0], $0xffff  }
0xef: {  	v57 =	vadd.s32 v13, v30;
	[tilespmem:s21+$0x150] =	vst v37;
	v18 =	vld.idx.msk [tilespmem:v53+s12+$0x0], $0xffff  }
0xf0: {  	v52 =	vadd.s32 v10, v30;
	[tilespmem:s21+$0x110] =	vst v17;
	v17 =	vld.idx.msk [tilespmem:v38+s12+$0x0], $0xffff  }
0xf1: {  	v61 =	vld.idx.msk [tilespmem:v55+s12+$0x0], $0xffff;
	[tilespmem:s21+$0xFFFFFDE0] =	vst v51;
	v60 =	vadd.s32 v0, v54  }
0xf2: {  	v32 =	vld.idx.msk [tilespmem:v58+s12+$0x0], $0xffff;
	[tilespmem:s21+$0x190] =	vst v25;
	v62 =	vadd.s32 v1, v54  }
0xf3: {  	v34 =	vld.idx.msk [tilespmem:v59+s12+$0x0], $0xffff;
	[tilespmem:s21+$0xFFFFFDD0] =	vst v16;
	v33 =	vadd.s32 v3, v54  }
0xf4: {  	v16 =	vld.idx.msk [tilespmem:v57+s12+$0x0], $0xffff;
	[tilespmem:s21+$0xFFFFFDF0] =	vst v23;
	v35 =	vadd.s32 v4, v54  }
0xf5: {  	v36 =	vadd.s32 v5, v54;
	[tilespmem:s21+$0xFFFFFDA0] =	vst v17;
	v17 =	vld.idx.msk [tilespmem:v52+s12+$0x0], $0xffff  }
0xf6: {  	[tilespmem:s21+$0x180] =	vst v56;
	v37 =	vadd.s32 v6, v54;
	v19 =	vld.idx.msk [tilespmem:v60+s12+$0x0], $0xffff  }
0xf7: {  	[tilespmem:s21+$0x1B0] =	vst v18;
	v39 =	vadd.s32 v7, v54;
	v24 =	vld.idx.msk [tilespmem:v62+s12+$0x0], $0xffff  }
0xf8: {  	[tilespmem:s21+$0x1C0] =	vst v61;
	v41 =	vadd.s32 v8, v54;
	v38 =	vld.idx.msk [tilespmem:v33+s12+$0x0], $0xffff  }
0xf9: {  	[tilespmem:s21+$0x1E0] =	vst v32;
	v44 =	vadd.s32 v10, v54;
	v40 =	vld.idx.msk [tilespmem:v35+s12+$0x0], $0xffff  }
0xfa: {  	v45 =	vadd.s32 v11, v54;
	[tilespmem:s21+$0x1D0] =	vst v16;
	v16 =	vld.idx.msk [tilespmem:v36+s12+$0x0], $0xffff  }
0xfb: {  	v63 =	vadd.s32 v2, v54;
	[tilespmem:s21+$0x1F0] =	vst v34;
	v43 =	vld.idx.msk [tilespmem:v37+s12+$0x0], $0xffff  }
0xfc: {  	v49 =	vadd.s32 v13, v54;
	v46 =	vld.idx.msk [tilespmem:v39+s12+$0x0], $0xffff;
	[tilespmem:s21+$0x1A0] =	vst v17  }
0xfd: {  	v50 =	vadd.s32 v14, v54;
	v48 =	vld.idx.msk [tilespmem:v41+s12+$0x0], $0xffff;
	[tilespmem:s21+$0xFFFFFE00] =	vst v19  }
0xfe: {  	v57 =	vadd.s32 v2, v28;
	v51 =	vld.idx.msk [tilespmem:v44+s12+$0x0], $0xffff;
	[tilespmem:s21+$0xFFFFFE10] =	vst v24  }
0xff: {  	v61 =	vadd.s32 v4, v28;
	v53 =	vld.idx.msk [tilespmem:v45+s12+$0x0], $0xffff;
	[tilespmem:s21+$0xFFFFFE30] =	vst v38  }
0x100: {  	v42 =	vadd.s32 v9, v54;
	v17 =	vld.idx.msk [tilespmem:v63+s12+$0x0], $0xffff;
	[tilespmem:s21+$0xFFFFFE40] =	vst v40  }
0x101: {  	v30 =	vadd.s32 v6, v28;
	v56 =	vld.idx.msk [tilespmem:v49+s12+$0x0], $0xffff;
	[tilespmem:s21+$0xFFFFFE50] =	vst v16  }
0x102: {  	v58 =	vld.idx.msk [tilespmem:v50+s12+$0x0], $0xffff;
	[tilespmem:s21+$0xFFFFFE60] =	vst v43  }
0x103: {  	v47 =	vadd.s32 v12, v54;
	v31 =	vld.idx.msk [tilespmem:v57+s12+$0x0], $0xffff;
	[tilespmem:s21+$0xFFFFFE70] =	vst v46  }
0x104: {  	v52 =	vadd.s32 v15, v54;
	v33 =	vld.idx.msk [tilespmem:v61+s12+$0x0], $0xffff;
	[tilespmem:s21+$0x200] =	vst v48  }
0x105: {  	v54 =	vadd.s32 v0, v28;
	[tilespmem:s21+$0xFFFFFE20] =	vst v17;
	v17 =	vld.idx.msk [tilespmem:v42+s12+$0x0], $0xffff  }
0x106: {  	v55 =	vadd.s32 v1, v28;
	v37 =	vld.idx.msk [tilespmem:v30+s12+$0x0], $0xffff;
	[tilespmem:s21+$0x220] =	vst v51  }
0x107: {  	v62 =	vadd.s32 v5, v28;
	v39 =	vld [tilespmem:s22+$0xFFFFFFF0];
	[tilespmem:s21+$0x230] =	vst v53  }
0x108: {  	v32 =	vadd.s32 v7, v28;
	v16 =	vld.idx.msk [tilespmem:v47+s12+$0x0], $0xffff;
	[tilespmem:s21+$0x250] =	vst v56  }
0x109: {  	v59 =	vadd.s32 v3, v28;
	v60 =	vld.idx.msk [tilespmem:v52+s12+$0x0], $0xffff;
	[tilespmem:s21+$0x260] =	vst v58  }
0x10a: {  	v41 =	vadd.s32 v12, v28;
	[tilespmem:s21+$0x210] =	vst v17;
	v17 =	vld.idx.msk [tilespmem:v54+s12+$0x0], $0xffff  }
0x10b: {  	v44 =	vadd.s32 v14, v28;
	v63 =	vld.idx.msk [tilespmem:v55+s12+$0x0], $0xffff;
	[tilespmem:s21+$0xFFFFFEA0] =	vst v31  }
0x10c: {  	v34 =	vadd.s32 v8, v28;
	v35 =	vld.idx.msk [tilespmem:v62+s12+$0x0], $0xffff;
	[tilespmem:s21+$0xFFFFFEC0] =	vst v33  }
0x10d: {  	v38 =	vadd.s32 v10, v28;
	v40 =	vld.idx.msk [tilespmem:v32+s12+$0x0], $0xffff;
	[tilespmem:s21+$0xFFFFFEE0] =	vst v37  }
0x10e: {  	v36 =	vadd.s32 v9, v28;
	[tilespmem:s21+$0x240] =	vst v16;
	v16 =	vld.idx.msk [tilespmem:v59+s12+$0x0], $0xffff  }
0x10f: {  	v21 =	vld.idx.msk [tilespmem:v41+s12+$0x0], $0xffff;
	[tilespmem:s21+$0xFFFFFE80] =	vst v17;
	v17 =	vadd.s32 v11, v28  }
0x110: {  	v43 =	vadd.s32 v13, v28;
	v51 =	vld.idx.msk [tilespmem:v44+s12+$0x0], $0xffff;
	[tilespmem:s21+$0x270] =	vst v60  }
0x111: {  	v47 =	vadd.s32 v0, v39;
	[tilespmem:s21+$0xFFFFFE90] =	vst v63;
	v42 =	vld.idx.msk [tilespmem:v34+s12+$0x0], $0xffff  }
0x112: {  	v50 =	vadd.s32 v2, v39;
	v45 =	vld.idx.msk [tilespmem:v38+s12+$0x0], $0xffff;
	[tilespmem:s21+$0xFFFFFED0] =	vst v35  }
0x113: {  	v46 =	vadd.s32 v15, v28;
	[tilespmem:s21+$0xFFFFFEB0] =	vst v16;
	v16 =	vld.idx.msk [tilespmem:v36+s12+$0x0], $0xffff  }
0x114: {  	v48 =	vadd.s32 v1, v39;
	[tilespmem:s21+$0xFFFFFEF0] =	vst v40;
	v17 =	vld.idx.msk [tilespmem:v17+s12+$0x0], $0xffff  }
0x115: {  	v52 =	vadd.s32 v3, v39;
	v49 =	vld.idx.msk [tilespmem:v43+s12+$0x0], $0xffff;
	[tilespmem:s21+$0x2C0] =	vst v21  }
0x116: {  	v53 =	vadd.s32 v4, v39;
	v19 =	vld.idx.msk [tilespmem:v47+s12+$0x0], $0xffff;
	[tilespmem:s21+$0x2E0] =	vst v51  }
0x117: {  	v56 =	vld.idx.msk [tilespmem:v50+s12+$0x0], $0xffff;
	[tilespmem:s21+$0x280] =	vst v42  }
0x118: {  	v54 =	vadd.s32 v5, v39;
	[tilespmem:s21+$0x290] =	vst v16;
	v16 =	vld.idx.msk [tilespmem:v46+s12+$0x0], $0xffff  }
0x119: {  	v55 =	vadd.s32 v6, v39;
	[tilespmem:s21+$0x2B0] =	vst v17;
	v17 =	vld.idx.msk [tilespmem:v48+s12+$0x0], $0xffff  }
0x11a: {  	v58 =	vadd.s32 v7, v39;
	v57 =	vld.idx.msk [tilespmem:v52+s12+$0x0], $0xffff;
	[tilespmem:s21+$0x2A0] =	vst v45  }
0x11b: {  	v61 =	vadd.s32 v9, v39;
	v59 =	vld.idx.msk [tilespmem:v53+s12+$0x0], $0xffff;
	[tilespmem:s21+$0x2D0] =	vst v49  }
0x11c: {  	v30 =	vadd.s32 v12, v39;
	[tilespmem:s21+$0xFFFFFF00] =	vst v19;
	v28 =	vld [tilespmem:s22+$0x0]  }
0x11d: {  	v63 =	vadd.s32 v10, v39;
	[tilespmem:s21+$0x2F0] =	vst v16;
	v16 =	vld.idx.msk [tilespmem:v54+s12+$0x0], $0xffff  }
0x11e: {  	v62 =	vld.idx.msk [tilespmem:v55+s12+$0x0], $0xffff;
	[tilespmem:s21+$0xFFFFFF10] =	vst v17;
	v17 =	vadd.s32 v11, v39  }
0x11f: {  	v60 =	vadd.s32 v8, v39;
	v29 =	vld.idx.msk [tilespmem:v58+s12+$0x0], $0xffff;
	[tilespmem:s21+$0xFFFFFF20] =	vst v56  }
0x120: {  	v33 =	vld.idx.msk [tilespmem:v61+s12+$0x0], $0xffff;
	v34 =	vadd.s32 v14, v39;
	[tilespmem:s21+$0xFFFFFF30] =	vst v57  }
0x121: {  	v37 =	vld.idx.msk [tilespmem:v30+s12+$0x0], $0xffff;
	[tilespmem:s21+$0xFFFFFF40] =	vst v59;
	v38 =	vadd.s32 v1, v28  }
0x122: {  	v35 =	vadd.s32 v15, v39;
	[tilespmem:s21+$0xFFFFFF50] =	vst v16;
	v16 =	vld.idx.msk [tilespmem:v63+s12+$0x0], $0xffff  }
0x123: {  	[tilespmem:s21+$0xFFFFFF60] =	vst v62;
	v36 =	vadd.s32 v0, v28;
	v17 =	vld.idx.msk [tilespmem:v17+s12+$0x0], $0xffff  }
0x124: {  	v31 =	vld.idx.msk [tilespmem:v60+s12+$0x0], $0xffff;
	[tilespmem:s21+$0xFFFFFF70] =	vst v29;
	v40 =	vadd.s32 v2, v28  }
0x125: {  	[tilespmem:s21+$0x310] =	vst v33;
	v41 =	vld.idx.msk [tilespmem:v34+s12+$0x0], $0xffff;
	v42 =	vadd.s32 v3, v28  }
0x126: {  	[tilespmem:s21+$0x340] =	vst v37;
	v46 =	vadd.s32 v6, v28;
	v45 =	vld.idx.msk [tilespmem:v38+s12+$0x0], $0xffff  }
0x127: {  	v43 =	vadd.s32 v4, v28;
	[tilespmem:s21+$0x320] =	vst v16;
	v16 =	vld.idx.msk [tilespmem:v35+s12+$0x0], $0xffff  }
0x128: {  	v44 =	vadd.s32 v5, v28;
	[tilespmem:s21+$0x330] =	vst v17;
	v17 =	vld.idx.msk [tilespmem:v36+s12+$0x0], $0xffff  }
0x129: {  	[tilespmem:s21+$0x300] =	vst v31;
	v50 =	vadd.s32 v8, v28;
	v47 =	vld.idx.msk [tilespmem:v40+s12+$0x0], $0xffff  }
0x12a: {  	[tilespmem:s21+$0x360] =	vst v41;
	v54 =	vadd.s32 v11, v28;
	v49 =	vld.idx.msk [tilespmem:v42+s12+$0x0], $0xffff  }
0x12b: {  	v56 =	vadd.s32 v12, v28;
	v53 =	vld.idx.msk [tilespmem:v46+s12+$0x0], $0xffff;
	[tilespmem:s21+$0xFFFFFF90] =	vst v45  }
0x12c: {  	v51 =	vadd.s32 v9, v28;
	[tilespmem:s21+$0x370] =	vst v16;
	v16 =	vld.idx.msk [tilespmem:v43+s12+$0x0], $0xffff  }
0x12d: {  	v52 =	vadd.s32 v10, v28;
	[tilespmem:s21+$0xFFFFFF80] =	vst v17;
	v17 =	vld.idx.msk [tilespmem:v44+s12+$0x0], $0xffff  }
0x12e: {  	v58 =	vadd.s32 v13, v28;
	v57 =	vld.idx.msk [tilespmem:v50+s12+$0x0], $0xffff;
	[tilespmem:s21+$0xFFFFFFA0] =	vst v47  }
0x12f: {  	v32 =	vadd.s32 v13, v39;
	v61 =	vld.idx.msk [tilespmem:v54+s12+$0x0], $0xffff;
	[tilespmem:s21+$0xFFFFFFB0] =	vst v49  }
0x130: {  	v48 =	vadd.s32 v7, v28;
	v62 =	vld.idx.msk [tilespmem:v56+s12+$0x0], $0xffff;
	[tilespmem:s21+$0xFFFFFFE0] =	vst v53  }
0x131: {  	v59 =	vadd.s32 v14, v28;
	[tilespmem:s21+$0xFFFFFFC0] =	vst v16;
	v16 =	vld.idx.msk [tilespmem:v51+s12+$0x0], $0xffff  }
0x132: {  	v60 =	vadd.s32 v15, v28;
	[tilespmem:s21+$0xFFFFFFD0] =	vst v17;
	v17 =	vld.idx.msk [tilespmem:v52+s12+$0x0], $0xffff  }
0x133: {  	v63 =	vld.idx.msk [tilespmem:v58+s12+$0x0], $0xffff;
	[tilespmem:s21+$0x380] =	vst v57  }
0x134: {  	v39 =	vld.idx.msk [tilespmem:v32+s12+$0x0], $0xffff;
	[tilespmem:s21+$0x3B0] =	vst v61  }
0x135: {  	v55 =	vld.idx.msk [tilespmem:v48+s12+$0x0], $0xffff;
	[tilespmem:s21+$0x3C0] =	vst v62  }
0x136: {  	s20 =	sadd.s32 $0x8, s20;
	[tilespmem:s21+$0x390] =	vst v16;
	v16 =	vld.idx.msk [tilespmem:v59+s12+$0x0], $0xffff  }
0x137: {  	p0 =	slt.u32 s20, $0x38;
	[tilespmem:s21+$0x3A0] =	vst v17;
	v17 =	vld.idx.msk [tilespmem:v60+s12+$0x0], $0xffff  }
.Ltmp1:
0x138: {  	[tilespmem:s21+$0x3D0] =	vst v63;
	(pc) =	sbr.rel @p0 .LBB2_4-.Ltmp1, $4  }
0x139: {  	[tilespmem:s21+$0x350] =	vst v39  }
0x13a: {  	[tilespmem:s21+$0xFFFFFFF0] =	vst v55  }
0x13b: {  	[tilespmem:s21+$0x3E0] =	vst v16  }
0x13c: {  	s22 =	sadd.s32 $0x80, s22;
	[tilespmem:s21+$0x3F0] =	vst v17;
	s21 =	sadd.s32 $0x800, s21  }
0x13d: {  	[hbm4b:s9+s14] =	stream.strided.scatter [tilespmem:s17], [sflag:$0x2], $0x4000, s15, s14, $0x38;
	[tilespmem:$0x1C000] =	vst v63  }
0x13e: {  	s20 =	simm.s32 $0x1;
	s21 =	simm.s32 $0x2;
	s22 =	simm.s32 $0x1  }
.LBB2_6:
0x13f: {  	p0 =	sne.s32 s22, $0x8  }
0x140: {  	s23 =	simm.s32 @!p0 $0x0  }
0x141: {  	[tilespmem:s23], [sflag:$0x3] =	stream.linear.gather @!p0 [hbm4b:s10+s23], $0x4000, $0x38;
	[tilespmem:$0x1C000] =	vst v63  }
0x142: {  	s23 =	simm.s32 @!p0 $0x3  }
0x143: {  	_ =	swait.ge @!p0 [sflag:s23], $0x4000  }
0x144: {  	[sflag:s23] =	ssyncset.done @!p0 $0x0  }
0x145: {  	s24 =	sand.u32 $0xF, s21;
	s25 =	sand.u32 $0x7, s20;
	[sflag:s23] =	ssyncadd.s32 @!p0 $0xFFFFC000  }
0x146: {  	s26 =	simm.s32 $0x14400;
	s30 =	sshll.u32 s24, $0xA;
	_ =	swait.ge [sflag:s18], $0x4000  }
0x147: {  	s31 =	sshll.u32 s25, $0xB;
	s25 =	simm.s32 $0xFFFFFFF8;
	[sflag:s18] =	ssyncset.done $0x0  }
0x148: {  	s24 =	sor.u32 $0x40, s31;
	s23 =	sadd.s32 $0x470, s30;
	[sflag:s18] =	ssyncadd.s32 $0xFFFFC000  }
.LBB2_7:
0x149: {  	v16 =	vld [tilespmem:s24+$0xFFFFFFC0];
	_ =	sdelay $0x4  }
0x14a: {  	v17 =	vadd.s32 v0, v16  }
0x14b: {  	v18 =	vadd.s32 v1, v16  }
0x14c: {  	v19 =	vadd.s32 v2, v16  }
0x14d: {  	v20 =	vadd.s32 v3, v16  }
0x14e: {  	v29 =	vld [tilespmem:s24+$0xFFFFFFD0];
	v21 =	vadd.s32 v4, v16  }
0x14f: {  	v22 =	vadd.s32 v5, v16;
	v17 =	vld.idx.msk [tilespmem:v17+s12+$0x0], $0xffff  }
0x150: {  	v23 =	vadd.s32 v6, v16;
	v18 =	vld.idx.msk [tilespmem:v18+s12+$0x0], $0xffff  }
0x151: {  	v24 =	vadd.s32 v7, v16;
	v19 =	vld.idx.msk [tilespmem:v19+s12+$0x0], $0xffff  }
0x152: {  	v25 =	vadd.s32 v8, v16;
	v20 =	vld.idx.msk [tilespmem:v20+s12+$0x0], $0xffff  }
0x153: {  	v26 =	vadd.s32 v9, v16;
	v21 =	vld.idx.msk [tilespmem:v21+s12+$0x0], $0xffff  }
0x154: {  	v27 =	vadd.s32 v10, v16;
	v22 =	vld.idx.msk [tilespmem:v22+s12+$0x0], $0xffff  }
0x155: {  	v30 =	vadd.s32 v12, v16;
	v23 =	vld.idx.msk [tilespmem:v23+s12+$0x0], $0xffff  }
0x156: {  	v31 =	vadd.s32 v13, v16;
	v24 =	vld.idx.msk [tilespmem:v24+s12+$0x0], $0xffff  }
0x157: {  	v32 =	vadd.s32 v14, v16;
	v25 =	vld.idx.msk [tilespmem:v25+s12+$0x0], $0xffff  }
0x158: {  	v28 =	vadd.s32 v11, v16;
	v16 =	vadd.s32 v15, v16;
	v26 =	vld.idx.msk [tilespmem:v26+s12+$0x0], $0xffff  }
0x159: {  	v42 =	vadd.s32 v0, v29;
	v27 =	vld.idx.msk [tilespmem:v27+s12+$0x0], $0xffff  }
0x15a: {  	v44 =	vadd.s32 v1, v29;
	v43 =	vld.idx.msk [tilespmem:v30+s12+$0x0], $0xffff;
	[tilespmem:s26+$0xFFFFFC00] =	vst v17  }
0x15b: {  	v46 =	vadd.s32 v2, v29;
	v45 =	vld.idx.msk [tilespmem:v31+s12+$0x0], $0xffff;
	[tilespmem:s26+$0xFFFFFC10] =	vst v18  }
0x15c: {  	v48 =	vadd.s32 v3, v29;
	v47 =	vld.idx.msk [tilespmem:v32+s12+$0x0], $0xffff;
	[tilespmem:s26+$0xFFFFFC20] =	vst v19  }
0x15d: {  	v51 =	vadd.s32 v5, v29;
	v16 =	vld.idx.msk [tilespmem:v16+s12+$0x0], $0xffff;
	[tilespmem:s26+$0xFFFFFC30] =	vst v20  }
0x15e: {  	v50 =	vld.idx.msk [tilespmem:v42+s12+$0x0], $0xffff;
	[tilespmem:s26+$0xFFFFFC40] =	vst v21  }
0x15f: {  	v56 =	vadd.s32 v7, v29;
	v52 =	vld.idx.msk [tilespmem:v44+s12+$0x0], $0xffff;
	[tilespmem:s26+$0xFFFFFC50] =	vst v22  }
0x160: {  	v57 =	vadd.s32 v8, v29;
	v54 =	vld.idx.msk [tilespmem:v46+s12+$0x0], $0xffff;
	[tilespmem:s26+$0xFFFFFC60] =	vst v23  }
0x161: {  	v60 =	vadd.s32 v10, v29;
	v55 =	vld.idx.msk [tilespmem:v48+s12+$0x0], $0xffff;
	[tilespmem:s26+$0xFFFFFC70] =	vst v24  }
0x162: {  	v63 =	vadd.s32 v12, v29;
	v58 =	vld.idx.msk [tilespmem:v51+s12+$0x0], $0xffff;
	[tilespmem:s26+$0x0] =	vst v25  }
0x163: {  	v49 =	vadd.s32 v4, v29;
	v53 =	vadd.s32 v6, v29;
	v34 =	vadd.s32 v13, v29;
	v32 =	vld [tilespmem:s24+$0xFFFFFFE0];
	[tilespmem:s26+$0x10] =	vst v26  }
0x164: {  	v59 =	vadd.s32 v9, v29;
	v35 =	vadd.s32 v14, v29;
	v62 =	vld.idx.msk [tilespmem:v56+s12+$0x0], $0xffff;
	[tilespmem:s26+$0x20] =	vst v27  }
0x165: {  	v61 =	vadd.s32 v11, v29;
	v29 =	vadd.s32 v15, v29;
	v33 =	vld.idx.msk [tilespmem:v57+s12+$0x0], $0xffff;
	[tilespmem:s26+$0x40] =	vst v43  }
0x166: {  	v36 =	vld.idx.msk [tilespmem:v60+s12+$0x0], $0xffff;
	[tilespmem:s26+$0x50] =	vst v45  }
0x167: {  	v38 =	vld.idx.msk [tilespmem:v63+s12+$0x0], $0xffff;
	[tilespmem:s26+$0x60] =	vst v47  }
0x168: {  	v40 =	vld.idx.msk [tilespmem:v34+s12+$0x0], $0xffff;
	[tilespmem:s26+$0x70] =	vst v16  }
0x169: {  	v42 =	vld.idx.msk [tilespmem:v35+s12+$0x0], $0xffff;
	[tilespmem:s26+$0xFFFFFC80] =	vst v50  }
0x16a: {  	v44 =	vld.idx.msk [tilespmem:v29+s12+$0x0], $0xffff;
	[tilespmem:s26+$0xFFFFFC90] =	vst v52  }
0x16b: {  	v30 =	vld [tilespmem:s24+$0xFFFFFFF0];
	[tilespmem:s26+$0xFFFFFCA0] =	vst v54  }
0x16c: {  	v17 =	vld.idx.msk [tilespmem:v28+s12+$0x0], $0xffff;
	[tilespmem:s26+$0xFFFFFCB0] =	vst v55  }
0x16d: {  	v21 =	vld.idx.msk [tilespmem:v49+s12+$0x0], $0xffff;
	v39 =	vadd.s32 v1, v32;
	[tilespmem:s26+$0xFFFFFCD0] =	vst v58  }
0x16e: {  	v16 =	vld.idx.msk [tilespmem:v59+s12+$0x0], $0xffff;
	v41 =	vadd.s32 v2, v32;
	[tilespmem:s26+$0xFFFFFCF0] =	vst v62  }
0x16f: {  	v18 =	vld.idx.msk [tilespmem:v61+s12+$0x0], $0xffff;
	v43 =	vadd.s32 v3, v32;
	[tilespmem:s26+$0x80] =	vst v33  }
0x170: {  	v45 =	vadd.s32 v4, v32;
	[tilespmem:s26+$0xA0] =	vst v36;
	v28 =	vld [tilespmem:s24+$0x10]  }
0x171: {  	v46 =	vadd.s32 v5, v32;
	[tilespmem:s26+$0x30] =	vst v17;
	v17 =	vld.idx.msk [tilespmem:v53+s12+$0x0], $0xffff  }
0x172: {  	v48 =	vadd.s32 v6, v32;
	[tilespmem:s26+$0xC0] =	vst v38;
	v47 =	vld.idx.msk [tilespmem:v39+s12+$0x0], $0xffff  }
0x173: {  	v50 =	vadd.s32 v7, v32;
	[tilespmem:s26+$0xD0] =	vst v40;
	v49 =	vld.idx.msk [tilespmem:v41+s12+$0x0], $0xffff  }
0x174: {  	v52 =	vadd.s32 v8, v32;
	[tilespmem:s26+$0x90] =	vst v16;
	v16 =	vld.idx.msk [tilespmem:v43+s12+$0x0], $0xffff  }
0x175: {  	v56 =	vadd.s32 v10, v32;
	[tilespmem:s26+$0xE0] =	vst v42;
	v51 =	vld.idx.msk [tilespmem:v45+s12+$0x0], $0xffff  }
0x176: {  	v57 =	vadd.s32 v11, v32;
	[tilespmem:s26+$0xF0] =	vst v44;
	v53 =	vld.idx.msk [tilespmem:v46+s12+$0x0], $0xffff  }
0x177: {  	v62 =	vadd.s32 v14, v32;
	[tilespmem:s26+$0xFFFFFCC0] =	vst v21;
	v55 =	vld.idx.msk [tilespmem:v48+s12+$0x0], $0xffff  }
0x178: {  	v33 =	vadd.s32 v15, v32;
	[tilespmem:s26+$0xB0] =	vst v18;
	v58 =	vld.idx.msk [tilespmem:v50+s12+$0x0], $0xffff  }
0x179: {  	v35 =	vadd.s32 v0, v30;
	v60 =	vld.idx.msk [tilespmem:v52+s12+$0x0], $0xffff;
	[tilespmem:s26+$0xFFFFFCE0] =	vst v17  }
0x17a: {  	v36 =	vadd.s32 v1, v30;
	v63 =	vld.idx.msk [tilespmem:v56+s12+$0x0], $0xffff;
	[tilespmem:s26+$0xFFFFFD10] =	vst v47  }
0x17b: {  	v40 =	vadd.s32 v3, v30;
	v34 =	vld.idx.msk [tilespmem:v57+s12+$0x0], $0xffff;
	[tilespmem:s26+$0xFFFFFD20] =	vst v49  }
0x17c: {  	v42 =	vadd.s32 v4, v30;
	v39 =	vld.idx.msk [tilespmem:v62+s12+$0x0], $0xffff;
	[tilespmem:s26+$0xFFFFFD30] =	vst v16  }
0x17d: {  	v37 =	vadd.s32 v0, v32;
	v41 =	vld.idx.msk [tilespmem:v33+s12+$0x0], $0xffff;
	[tilespmem:s26+$0xFFFFFD40] =	vst v51  }
0x17e: {  	v59 =	vadd.s32 v12, v32;
	v43 =	vld.idx.msk [tilespmem:v35+s12+$0x0], $0xffff;
	[tilespmem:s26+$0xFFFFFD50] =	vst v53  }
0x17f: {  	v61 =	vadd.s32 v13, v32;
	v26 =	vld.idx.msk [tilespmem:v36+s12+$0x0], $0xffff;
	[tilespmem:s26+$0xFFFFFD60] =	vst v55  }
0x180: {  	v45 =	vadd.s32 v6, v30;
	v46 =	vld.idx.msk [tilespmem:v40+s12+$0x0], $0xffff;
	[tilespmem:s26+$0xFFFFFD70] =	vst v58  }
0x181: {  	v48 =	vld.idx.msk [tilespmem:v42+s12+$0x0], $0xffff;
	v50 =	vadd.s32 v9, v30;
	[tilespmem:s26+$0x100] =	vst v60  }
0x182: {  	v54 =	vadd.s32 v9, v32;
	v17 =	vld.idx.msk [tilespmem:v37+s12+$0x0], $0xffff;
	[tilespmem:s26+$0x120] =	vst v63  }
0x183: {  	v44 =	vadd.s32 v5, v30;
	v16 =	vld.idx.msk [tilespmem:v59+s12+$0x0], $0xffff;
	[tilespmem:s26+$0x130] =	vst v34  }
0x184: {  	v37 =	vld.idx.msk [tilespmem:v61+s12+$0x0], $0xffff;
	[tilespmem:s26+$0x160] =	vst v39  }
0x185: {  	v47 =	vadd.s32 v7, v30;
	v51 =	vld.idx.msk [tilespmem:v45+s12+$0x0], $0xffff;
	[tilespmem:s26+$0x170] =	vst v41  }
0x186: {  	v49 =	vadd.s32 v8, v30;
	[tilespmem:s26+$0xFFFFFD80] =	vst v43;
	v25 =	vld.idx.msk [tilespmem:v50+s12+$0x0], $0xffff  }
0x187: {  	v53 =	vadd.s32 v11, v30;
	[tilespmem:s26+$0xFFFFFD00] =	vst v17;
	v17 =	vld.idx.msk [tilespmem:v54+s12+$0x0], $0xffff  }
0x188: {  	v38 =	vadd.s32 v2, v30;
	[tilespmem:s26+$0x140] =	vst v16;
	v16 =	vld.idx.msk [tilespmem:v44+s12+$0x0], $0xffff  }
0x189: {  	v55 =	vadd.s32 v12, v30;
	[tilespmem:s26+$0xFFFFFD90] =	vst v26;
	v54 =	vld [tilespmem:s24+$0x0]  }
0x18a: {  	v58 =	vadd.s32 v14, v30;
	[tilespmem:s26+$0xFFFFFDB0] =	vst v46;
	v23 =	vld.idx.msk [tilespmem:v47+s12+$0x0], $0xffff  }
0x18b: {  	v59 =	vadd.s32 v15, v30;
	[tilespmem:s26+$0xFFFFFDC0] =	vst v48;
	v56 =	vld.idx.msk [tilespmem:v49+s12+$0x0], $0xffff  }
0x18c: {  	v57 =	vadd.s32 v13, v30;
	[tilespmem:s26+$0x150] =	vst v37;
	v18 =	vld.idx.msk [tilespmem:v53+s12+$0x0], $0xffff  }
0x18d: {  	v52 =	vadd.s32 v10, v30;
	[tilespmem:s26+$0x110] =	vst v17;
	v17 =	vld.idx.msk [tilespmem:v38+s12+$0x0], $0xffff  }
0x18e: {  	v61 =	vld.idx.msk [tilespmem:v55+s12+$0x0], $0xffff;
	[tilespmem:s26+$0xFFFFFDE0] =	vst v51;
	v60 =	vadd.s32 v0, v54  }
0x18f: {  	v32 =	vld.idx.msk [tilespmem:v58+s12+$0x0], $0xffff;
	[tilespmem:s26+$0x190] =	vst v25;
	v62 =	vadd.s32 v1, v54  }
0x190: {  	v34 =	vld.idx.msk [tilespmem:v59+s12+$0x0], $0xffff;
	[tilespmem:s26+$0xFFFFFDD0] =	vst v16;
	v33 =	vadd.s32 v3, v54  }
0x191: {  	v16 =	vld.idx.msk [tilespmem:v57+s12+$0x0], $0xffff;
	[tilespmem:s26+$0xFFFFFDF0] =	vst v23;
	v35 =	vadd.s32 v4, v54  }
0x192: {  	v36 =	vadd.s32 v5, v54;
	[tilespmem:s26+$0xFFFFFDA0] =	vst v17;
	v17 =	vld.idx.msk [tilespmem:v52+s12+$0x0], $0xffff  }
0x193: {  	[tilespmem:s26+$0x180] =	vst v56;
	v37 =	vadd.s32 v6, v54;
	v19 =	vld.idx.msk [tilespmem:v60+s12+$0x0], $0xffff  }
0x194: {  	[tilespmem:s26+$0x1B0] =	vst v18;
	v39 =	vadd.s32 v7, v54;
	v24 =	vld.idx.msk [tilespmem:v62+s12+$0x0], $0xffff  }
0x195: {  	[tilespmem:s26+$0x1C0] =	vst v61;
	v41 =	vadd.s32 v8, v54;
	v38 =	vld.idx.msk [tilespmem:v33+s12+$0x0], $0xffff  }
0x196: {  	[tilespmem:s26+$0x1E0] =	vst v32;
	v44 =	vadd.s32 v10, v54;
	v40 =	vld.idx.msk [tilespmem:v35+s12+$0x0], $0xffff  }
0x197: {  	v45 =	vadd.s32 v11, v54;
	[tilespmem:s26+$0x1D0] =	vst v16;
	v16 =	vld.idx.msk [tilespmem:v36+s12+$0x0], $0xffff  }
0x198: {  	v63 =	vadd.s32 v2, v54;
	[tilespmem:s26+$0x1F0] =	vst v34;
	v43 =	vld.idx.msk [tilespmem:v37+s12+$0x0], $0xffff  }
0x199: {  	v49 =	vadd.s32 v13, v54;
	v46 =	vld.idx.msk [tilespmem:v39+s12+$0x0], $0xffff;
	[tilespmem:s26+$0x1A0] =	vst v17  }
0x19a: {  	v50 =	vadd.s32 v14, v54;
	v48 =	vld.idx.msk [tilespmem:v41+s12+$0x0], $0xffff;
	[tilespmem:s26+$0xFFFFFE00] =	vst v19  }
0x19b: {  	v57 =	vadd.s32 v2, v28;
	v51 =	vld.idx.msk [tilespmem:v44+s12+$0x0], $0xffff;
	[tilespmem:s26+$0xFFFFFE10] =	vst v24  }
0x19c: {  	v61 =	vadd.s32 v4, v28;
	v53 =	vld.idx.msk [tilespmem:v45+s12+$0x0], $0xffff;
	[tilespmem:s26+$0xFFFFFE30] =	vst v38  }
0x19d: {  	v42 =	vadd.s32 v9, v54;
	v17 =	vld.idx.msk [tilespmem:v63+s12+$0x0], $0xffff;
	[tilespmem:s26+$0xFFFFFE40] =	vst v40  }
0x19e: {  	v30 =	vadd.s32 v6, v28;
	v56 =	vld.idx.msk [tilespmem:v49+s12+$0x0], $0xffff;
	[tilespmem:s26+$0xFFFFFE50] =	vst v16  }
0x19f: {  	v58 =	vld.idx.msk [tilespmem:v50+s12+$0x0], $0xffff;
	[tilespmem:s26+$0xFFFFFE60] =	vst v43  }
0x1a0: {  	v47 =	vadd.s32 v12, v54;
	v31 =	vld.idx.msk [tilespmem:v57+s12+$0x0], $0xffff;
	[tilespmem:s26+$0xFFFFFE70] =	vst v46  }
0x1a1: {  	v52 =	vadd.s32 v15, v54;
	v33 =	vld.idx.msk [tilespmem:v61+s12+$0x0], $0xffff;
	[tilespmem:s26+$0x200] =	vst v48  }
0x1a2: {  	v54 =	vadd.s32 v0, v28;
	[tilespmem:s26+$0xFFFFFE20] =	vst v17;
	v17 =	vld.idx.msk [tilespmem:v42+s12+$0x0], $0xffff  }
0x1a3: {  	v55 =	vadd.s32 v1, v28;
	v37 =	vld.idx.msk [tilespmem:v30+s12+$0x0], $0xffff;
	[tilespmem:s26+$0x220] =	vst v51  }
0x1a4: {  	v62 =	vadd.s32 v5, v28;
	v39 =	vld [tilespmem:s24+$0x20];
	[tilespmem:s26+$0x230] =	vst v53  }
0x1a5: {  	v32 =	vadd.s32 v7, v28;
	v16 =	vld.idx.msk [tilespmem:v47+s12+$0x0], $0xffff;
	[tilespmem:s26+$0x250] =	vst v56  }
0x1a6: {  	v59 =	vadd.s32 v3, v28;
	v60 =	vld.idx.msk [tilespmem:v52+s12+$0x0], $0xffff;
	[tilespmem:s26+$0x260] =	vst v58  }
0x1a7: {  	v41 =	vadd.s32 v12, v28;
	[tilespmem:s26+$0x210] =	vst v17;
	v17 =	vld.idx.msk [tilespmem:v54+s12+$0x0], $0xffff  }
0x1a8: {  	v44 =	vadd.s32 v14, v28;
	v63 =	vld.idx.msk [tilespmem:v55+s12+$0x0], $0xffff;
	[tilespmem:s26+$0xFFFFFEA0] =	vst v31  }
0x1a9: {  	v34 =	vadd.s32 v8, v28;
	v35 =	vld.idx.msk [tilespmem:v62+s12+$0x0], $0xffff;
	[tilespmem:s26+$0xFFFFFEC0] =	vst v33  }
0x1aa: {  	v38 =	vadd.s32 v10, v28;
	v40 =	vld.idx.msk [tilespmem:v32+s12+$0x0], $0xffff;
	[tilespmem:s26+$0xFFFFFEE0] =	vst v37  }
0x1ab: {  	v36 =	vadd.s32 v9, v28;
	[tilespmem:s26+$0x240] =	vst v16;
	v16 =	vld.idx.msk [tilespmem:v59+s12+$0x0], $0xffff  }
0x1ac: {  	v21 =	vld.idx.msk [tilespmem:v41+s12+$0x0], $0xffff;
	[tilespmem:s26+$0xFFFFFE80] =	vst v17;
	v17 =	vadd.s32 v11, v28  }
0x1ad: {  	v43 =	vadd.s32 v13, v28;
	v51 =	vld.idx.msk [tilespmem:v44+s12+$0x0], $0xffff;
	[tilespmem:s26+$0x270] =	vst v60  }
0x1ae: {  	v47 =	vadd.s32 v0, v39;
	[tilespmem:s26+$0xFFFFFE90] =	vst v63;
	v42 =	vld.idx.msk [tilespmem:v34+s12+$0x0], $0xffff  }
0x1af: {  	v50 =	vadd.s32 v2, v39;
	v45 =	vld.idx.msk [tilespmem:v38+s12+$0x0], $0xffff;
	[tilespmem:s26+$0xFFFFFED0] =	vst v35  }
0x1b0: {  	v46 =	vadd.s32 v15, v28;
	[tilespmem:s26+$0xFFFFFEB0] =	vst v16;
	v16 =	vld.idx.msk [tilespmem:v36+s12+$0x0], $0xffff  }
0x1b1: {  	v48 =	vadd.s32 v1, v39;
	[tilespmem:s26+$0xFFFFFEF0] =	vst v40;
	v17 =	vld.idx.msk [tilespmem:v17+s12+$0x0], $0xffff  }
0x1b2: {  	v52 =	vadd.s32 v3, v39;
	v49 =	vld.idx.msk [tilespmem:v43+s12+$0x0], $0xffff;
	[tilespmem:s26+$0x2C0] =	vst v21  }
0x1b3: {  	v53 =	vadd.s32 v4, v39;
	v19 =	vld.idx.msk [tilespmem:v47+s12+$0x0], $0xffff;
	[tilespmem:s26+$0x2E0] =	vst v51  }
0x1b4: {  	v56 =	vld.idx.msk [tilespmem:v50+s12+$0x0], $0xffff;
	[tilespmem:s26+$0x280] =	vst v42  }
0x1b5: {  	v54 =	vadd.s32 v5, v39;
	[tilespmem:s26+$0x290] =	vst v16;
	v16 =	vld.idx.msk [tilespmem:v46+s12+$0x0], $0xffff  }
0x1b6: {  	v55 =	vadd.s32 v6, v39;
	[tilespmem:s26+$0x2B0] =	vst v17;
	v17 =	vld.idx.msk [tilespmem:v48+s12+$0x0], $0xffff  }
0x1b7: {  	v58 =	vadd.s32 v7, v39;
	v57 =	vld.idx.msk [tilespmem:v52+s12+$0x0], $0xffff;
	[tilespmem:s26+$0x2A0] =	vst v45  }
0x1b8: {  	v61 =	vadd.s32 v9, v39;
	v59 =	vld.idx.msk [tilespmem:v53+s12+$0x0], $0xffff;
	[tilespmem:s26+$0x2D0] =	vst v49  }
0x1b9: {  	v30 =	vadd.s32 v12, v39;
	[tilespmem:s26+$0xFFFFFF00] =	vst v19;
	v28 =	vld [tilespmem:s24+$0x30]  }
0x1ba: {  	v63 =	vadd.s32 v10, v39;
	[tilespmem:s26+$0x2F0] =	vst v16;
	v16 =	vld.idx.msk [tilespmem:v54+s12+$0x0], $0xffff  }
0x1bb: {  	v62 =	vld.idx.msk [tilespmem:v55+s12+$0x0], $0xffff;
	[tilespmem:s26+$0xFFFFFF10] =	vst v17;
	v17 =	vadd.s32 v11, v39  }
0x1bc: {  	v60 =	vadd.s32 v8, v39;
	v29 =	vld.idx.msk [tilespmem:v58+s12+$0x0], $0xffff;
	[tilespmem:s26+$0xFFFFFF20] =	vst v56  }
0x1bd: {  	v33 =	vld.idx.msk [tilespmem:v61+s12+$0x0], $0xffff;
	v34 =	vadd.s32 v14, v39;
	[tilespmem:s26+$0xFFFFFF30] =	vst v57  }
0x1be: {  	v37 =	vld.idx.msk [tilespmem:v30+s12+$0x0], $0xffff;
	[tilespmem:s26+$0xFFFFFF40] =	vst v59;
	v38 =	vadd.s32 v1, v28  }
0x1bf: {  	v35 =	vadd.s32 v15, v39;
	[tilespmem:s26+$0xFFFFFF50] =	vst v16;
	v16 =	vld.idx.msk [tilespmem:v63+s12+$0x0], $0xffff  }
0x1c0: {  	[tilespmem:s26+$0xFFFFFF60] =	vst v62;
	v36 =	vadd.s32 v0, v28;
	v17 =	vld.idx.msk [tilespmem:v17+s12+$0x0], $0xffff  }
0x1c1: {  	v31 =	vld.idx.msk [tilespmem:v60+s12+$0x0], $0xffff;
	[tilespmem:s26+$0xFFFFFF70] =	vst v29;
	v40 =	vadd.s32 v2, v28  }
0x1c2: {  	[tilespmem:s26+$0x310] =	vst v33;
	v41 =	vld.idx.msk [tilespmem:v34+s12+$0x0], $0xffff;
	v42 =	vadd.s32 v3, v28  }
0x1c3: {  	[tilespmem:s26+$0x340] =	vst v37;
	v46 =	vadd.s32 v6, v28;
	v45 =	vld.idx.msk [tilespmem:v38+s12+$0x0], $0xffff  }
0x1c4: {  	v43 =	vadd.s32 v4, v28;
	[tilespmem:s26+$0x320] =	vst v16;
	v16 =	vld.idx.msk [tilespmem:v35+s12+$0x0], $0xffff  }
0x1c5: {  	v44 =	vadd.s32 v5, v28;
	[tilespmem:s26+$0x330] =	vst v17;
	v17 =	vld.idx.msk [tilespmem:v36+s12+$0x0], $0xffff  }
0x1c6: {  	[tilespmem:s26+$0x300] =	vst v31;
	v50 =	vadd.s32 v8, v28;
	v47 =	vld.idx.msk [tilespmem:v40+s12+$0x0], $0xffff  }
0x1c7: {  	[tilespmem:s26+$0x360] =	vst v41;
	v54 =	vadd.s32 v11, v28;
	v49 =	vld.idx.msk [tilespmem:v42+s12+$0x0], $0xffff  }
0x1c8: {  	v56 =	vadd.s32 v12, v28;
	v53 =	vld.idx.msk [tilespmem:v46+s12+$0x0], $0xffff;
	[tilespmem:s26+$0xFFFFFF90] =	vst v45  }
0x1c9: {  	v51 =	vadd.s32 v9, v28;
	[tilespmem:s26+$0x370] =	vst v16;
	v16 =	vld.idx.msk [tilespmem:v43+s12+$0x0], $0xffff  }
0x1ca: {  	v52 =	vadd.s32 v10, v28;
	[tilespmem:s26+$0xFFFFFF80] =	vst v17;
	v17 =	vld.idx.msk [tilespmem:v44+s12+$0x0], $0xffff  }
0x1cb: {  	v58 =	vadd.s32 v13, v28;
	v57 =	vld.idx.msk [tilespmem:v50+s12+$0x0], $0xffff;
	[tilespmem:s26+$0xFFFFFFA0] =	vst v47  }
0x1cc: {  	v32 =	vadd.s32 v13, v39;
	v61 =	vld.idx.msk [tilespmem:v54+s12+$0x0], $0xffff;
	[tilespmem:s26+$0xFFFFFFB0] =	vst v49  }
0x1cd: {  	v48 =	vadd.s32 v7, v28;
	v62 =	vld.idx.msk [tilespmem:v56+s12+$0x0], $0xffff;
	[tilespmem:s26+$0xFFFFFFE0] =	vst v53  }
0x1ce: {  	v59 =	vadd.s32 v14, v28;
	[tilespmem:s26+$0xFFFFFFC0] =	vst v16;
	v16 =	vld.idx.msk [tilespmem:v51+s12+$0x0], $0xffff  }
0x1cf: {  	v60 =	vadd.s32 v15, v28;
	[tilespmem:s26+$0xFFFFFFD0] =	vst v17;
	v17 =	vld.idx.msk [tilespmem:v52+s12+$0x0], $0xffff  }
0x1d0: {  	v63 =	vld.idx.msk [tilespmem:v58+s12+$0x0], $0xffff;
	[tilespmem:s26+$0x380] =	vst v57  }
0x1d1: {  	v39 =	vld.idx.msk [tilespmem:v32+s12+$0x0], $0xffff;
	[tilespmem:s26+$0x3B0] =	vst v61  }
0x1d2: {  	v55 =	vld.idx.msk [tilespmem:v48+s12+$0x0], $0xffff;
	[tilespmem:s26+$0x3C0] =	vst v62  }
0x1d3: {  	s25 =	sadd.s32 $0x8, s25;
	[tilespmem:s26+$0x390] =	vst v16;
	v16 =	vld.idx.msk [tilespmem:v59+s12+$0x0], $0xffff  }
0x1d4: {  	p0 =	slt.u32 s25, $0x38;
	[tilespmem:s26+$0x3A0] =	vst v17;
	v17 =	vld.idx.msk [tilespmem:v60+s12+$0x0], $0xffff  }
.Ltmp2:
0x1d5: {  	[tilespmem:s26+$0x3D0] =	vst v63;
	(pc) =	sbr.rel @p0 .LBB2_7-.Ltmp2, $4  }
0x1d6: {  	[tilespmem:s26+$0x350] =	vst v39  }
0x1d7: {  	[tilespmem:s26+$0xFFFFFFF0] =	vst v55  }
0x1d8: {  	[tilespmem:s26+$0x3E0] =	vst v16  }
0x1d9: {  	s24 =	sadd.s32 $0x80, s24;
	[tilespmem:s26+$0x3F0] =	vst v17;
	s26 =	sadd.s32 $0x800, s26  }
0x1da: {  	s24 =	sshll.u32 s22, $0x10  }
0x1db: {  	s24 =	sadd.s32 s5, s24  }
0x1dc: {  	s24 =	sshrl.u32 s24, $0x3  }
0x1dd: {  	s24 =	sadd.s32 s2, s24  }
0x1de: {  	[hbm4b:s24+s14] =	stream.strided.scatter [tilespmem:s16], [sflag:$0x2], $0x4000, s15, s14, $0x38;
	[tilespmem:$0x1C000] =	vst v63  }
0x1df: {  	_ =	swait.ge [sflag:s18], $0x4000  }
0x1e0: {  	s25 =	simm.s32 $0xFFFFFFF8;
	[sflag:s18] =	ssyncset.done $0x0  }
0x1e1: {  	s26 =	simm.s32 $0x18400;
	s24 =	sshllo.u32 s22, $0x1;
	[sflag:s18] =	ssyncadd.s32 $0xFFFFC000  }
.LBB2_9:
0x1e2: {  	v16 =	vld [tilespmem:s23+$0xFFFFFF90];
	_ =	sdelay $0x4  }
0x1e3: {  	v17 =	vadd.s32 v0, v16  }
0x1e4: {  	v18 =	vadd.s32 v1, v16  }
0x1e5: {  	v19 =	vadd.s32 v2, v16  }
0x1e6: {  	v20 =	vadd.s32 v3, v16  }
0x1e7: {  	v29 =	vld [tilespmem:s23+$0xFFFFFFA0];
	v21 =	vadd.s32 v4, v16  }
0x1e8: {  	v22 =	vadd.s32 v5, v16;
	v17 =	vld.idx.msk [tilespmem:v17+s12+$0x0], $0xffff  }
0x1e9: {  	v23 =	vadd.s32 v6, v16;
	v18 =	vld.idx.msk [tilespmem:v18+s12+$0x0], $0xffff  }
0x1ea: {  	v24 =	vadd.s32 v7, v16;
	v19 =	vld.idx.msk [tilespmem:v19+s12+$0x0], $0xffff  }
0x1eb: {  	v25 =	vadd.s32 v8, v16;
	v20 =	vld.idx.msk [tilespmem:v20+s12+$0x0], $0xffff  }
0x1ec: {  	v26 =	vadd.s32 v9, v16;
	v21 =	vld.idx.msk [tilespmem:v21+s12+$0x0], $0xffff  }
0x1ed: {  	v27 =	vadd.s32 v10, v16;
	v22 =	vld.idx.msk [tilespmem:v22+s12+$0x0], $0xffff  }
0x1ee: {  	v30 =	vadd.s32 v12, v16;
	v23 =	vld.idx.msk [tilespmem:v23+s12+$0x0], $0xffff  }
0x1ef: {  	v31 =	vadd.s32 v13, v16;
	v24 =	vld.idx.msk [tilespmem:v24+s12+$0x0], $0xffff  }
0x1f0: {  	v32 =	vadd.s32 v14, v16;
	v25 =	vld.idx.msk [tilespmem:v25+s12+$0x0], $0xffff  }
0x1f1: {  	v28 =	vadd.s32 v11, v16;
	v16 =	vadd.s32 v15, v16;
	v26 =	vld.idx.msk [tilespmem:v26+s12+$0x0], $0xffff  }
0x1f2: {  	v42 =	vadd.s32 v0, v29;
	v27 =	vld.idx.msk [tilespmem:v27+s12+$0x0], $0xffff  }
0x1f3: {  	v44 =	vadd.s32 v1, v29;
	v43 =	vld.idx.msk [tilespmem:v30+s12+$0x0], $0xffff;
	[tilespmem:s26+$0xFFFFFC00] =	vst v17  }
0x1f4: {  	v46 =	vadd.s32 v2, v29;
	v45 =	vld.idx.msk [tilespmem:v31+s12+$0x0], $0xffff;
	[tilespmem:s26+$0xFFFFFC10] =	vst v18  }
0x1f5: {  	v48 =	vadd.s32 v3, v29;
	v47 =	vld.idx.msk [tilespmem:v32+s12+$0x0], $0xffff;
	[tilespmem:s26+$0xFFFFFC20] =	vst v19  }
0x1f6: {  	v51 =	vadd.s32 v5, v29;
	v16 =	vld.idx.msk [tilespmem:v16+s12+$0x0], $0xffff;
	[tilespmem:s26+$0xFFFFFC30] =	vst v20  }
0x1f7: {  	v50 =	vld.idx.msk [tilespmem:v42+s12+$0x0], $0xffff;
	[tilespmem:s26+$0xFFFFFC40] =	vst v21  }
0x1f8: {  	v56 =	vadd.s32 v7, v29;
	v52 =	vld.idx.msk [tilespmem:v44+s12+$0x0], $0xffff;
	[tilespmem:s26+$0xFFFFFC50] =	vst v22  }
0x1f9: {  	v57 =	vadd.s32 v8, v29;
	v54 =	vld.idx.msk [tilespmem:v46+s12+$0x0], $0xffff;
	[tilespmem:s26+$0xFFFFFC60] =	vst v23  }
0x1fa: {  	v60 =	vadd.s32 v10, v29;
	v55 =	vld.idx.msk [tilespmem:v48+s12+$0x0], $0xffff;
	[tilespmem:s26+$0xFFFFFC70] =	vst v24  }
0x1fb: {  	v63 =	vadd.s32 v12, v29;
	v58 =	vld.idx.msk [tilespmem:v51+s12+$0x0], $0xffff;
	[tilespmem:s26+$0x0] =	vst v25  }
0x1fc: {  	v49 =	vadd.s32 v4, v29;
	v53 =	vadd.s32 v6, v29;
	v34 =	vadd.s32 v13, v29;
	v32 =	vld [tilespmem:s23+$0xFFFFFFB0];
	[tilespmem:s26+$0x10] =	vst v26  }
0x1fd: {  	v59 =	vadd.s32 v9, v29;
	v35 =	vadd.s32 v14, v29;
	v62 =	vld.idx.msk [tilespmem:v56+s12+$0x0], $0xffff;
	[tilespmem:s26+$0x20] =	vst v27  }
0x1fe: {  	v61 =	vadd.s32 v11, v29;
	v29 =	vadd.s32 v15, v29;
	v33 =	vld.idx.msk [tilespmem:v57+s12+$0x0], $0xffff;
	[tilespmem:s26+$0x40] =	vst v43  }
0x1ff: {  	v36 =	vld.idx.msk [tilespmem:v60+s12+$0x0], $0xffff;
	[tilespmem:s26+$0x50] =	vst v45  }
0x200: {  	v38 =	vld.idx.msk [tilespmem:v63+s12+$0x0], $0xffff;
	[tilespmem:s26+$0x60] =	vst v47  }
0x201: {  	v40 =	vld.idx.msk [tilespmem:v34+s12+$0x0], $0xffff;
	[tilespmem:s26+$0x70] =	vst v16  }
0x202: {  	v42 =	vld.idx.msk [tilespmem:v35+s12+$0x0], $0xffff;
	[tilespmem:s26+$0xFFFFFC80] =	vst v50  }
0x203: {  	v44 =	vld.idx.msk [tilespmem:v29+s12+$0x0], $0xffff;
	[tilespmem:s26+$0xFFFFFC90] =	vst v52  }
0x204: {  	v30 =	vld [tilespmem:s23+$0xFFFFFFC0];
	[tilespmem:s26+$0xFFFFFCA0] =	vst v54  }
0x205: {  	v17 =	vld.idx.msk [tilespmem:v28+s12+$0x0], $0xffff;
	[tilespmem:s26+$0xFFFFFCB0] =	vst v55  }
0x206: {  	v21 =	vld.idx.msk [tilespmem:v49+s12+$0x0], $0xffff;
	v39 =	vadd.s32 v1, v32;
	[tilespmem:s26+$0xFFFFFCD0] =	vst v58  }
0x207: {  	v16 =	vld.idx.msk [tilespmem:v59+s12+$0x0], $0xffff;
	v41 =	vadd.s32 v2, v32;
	[tilespmem:s26+$0xFFFFFCF0] =	vst v62  }
0x208: {  	v18 =	vld.idx.msk [tilespmem:v61+s12+$0x0], $0xffff;
	v43 =	vadd.s32 v3, v32;
	[tilespmem:s26+$0x80] =	vst v33  }
0x209: {  	v45 =	vadd.s32 v4, v32;
	[tilespmem:s26+$0xA0] =	vst v36;
	v28 =	vld [tilespmem:s23+$0xFFFFFFE0]  }
0x20a: {  	v46 =	vadd.s32 v5, v32;
	[tilespmem:s26+$0x30] =	vst v17;
	v17 =	vld.idx.msk [tilespmem:v53+s12+$0x0], $0xffff  }
0x20b: {  	v48 =	vadd.s32 v6, v32;
	[tilespmem:s26+$0xC0] =	vst v38;
	v47 =	vld.idx.msk [tilespmem:v39+s12+$0x0], $0xffff  }
0x20c: {  	v50 =	vadd.s32 v7, v32;
	[tilespmem:s26+$0xD0] =	vst v40;
	v49 =	vld.idx.msk [tilespmem:v41+s12+$0x0], $0xffff  }
0x20d: {  	v52 =	vadd.s32 v8, v32;
	[tilespmem:s26+$0x90] =	vst v16;
	v16 =	vld.idx.msk [tilespmem:v43+s12+$0x0], $0xffff  }
0x20e: {  	v56 =	vadd.s32 v10, v32;
	[tilespmem:s26+$0xE0] =	vst v42;
	v51 =	vld.idx.msk [tilespmem:v45+s12+$0x0], $0xffff  }
0x20f: {  	v57 =	vadd.s32 v11, v32;
	[tilespmem:s26+$0xF0] =	vst v44;
	v53 =	vld.idx.msk [tilespmem:v46+s12+$0x0], $0xffff  }
0x210: {  	v62 =	vadd.s32 v14, v32;
	[tilespmem:s26+$0xFFFFFCC0] =	vst v21;
	v55 =	vld.idx.msk [tilespmem:v48+s12+$0x0], $0xffff  }
0x211: {  	v33 =	vadd.s32 v15, v32;
	[tilespmem:s26+$0xB0] =	vst v18;
	v58 =	vld.idx.msk [tilespmem:v50+s12+$0x0], $0xffff  }
0x212: {  	v35 =	vadd.s32 v0, v30;
	v60 =	vld.idx.msk [tilespmem:v52+s12+$0x0], $0xffff;
	[tilespmem:s26+$0xFFFFFCE0] =	vst v17  }
0x213: {  	v36 =	vadd.s32 v1, v30;
	v63 =	vld.idx.msk [tilespmem:v56+s12+$0x0], $0xffff;
	[tilespmem:s26+$0xFFFFFD10] =	vst v47  }
0x214: {  	v40 =	vadd.s32 v3, v30;
	v34 =	vld.idx.msk [tilespmem:v57+s12+$0x0], $0xffff;
	[tilespmem:s26+$0xFFFFFD20] =	vst v49  }
0x215: {  	v42 =	vadd.s32 v4, v30;
	v39 =	vld.idx.msk [tilespmem:v62+s12+$0x0], $0xffff;
	[tilespmem:s26+$0xFFFFFD30] =	vst v16  }
0x216: {  	v37 =	vadd.s32 v0, v32;
	v41 =	vld.idx.msk [tilespmem:v33+s12+$0x0], $0xffff;
	[tilespmem:s26+$0xFFFFFD40] =	vst v51  }
0x217: {  	v59 =	vadd.s32 v12, v32;
	v43 =	vld.idx.msk [tilespmem:v35+s12+$0x0], $0xffff;
	[tilespmem:s26+$0xFFFFFD50] =	vst v53  }
0x218: {  	v61 =	vadd.s32 v13, v32;
	v26 =	vld.idx.msk [tilespmem:v36+s12+$0x0], $0xffff;
	[tilespmem:s26+$0xFFFFFD60] =	vst v55  }
0x219: {  	v45 =	vadd.s32 v6, v30;
	v46 =	vld.idx.msk [tilespmem:v40+s12+$0x0], $0xffff;
	[tilespmem:s26+$0xFFFFFD70] =	vst v58  }
0x21a: {  	v48 =	vld.idx.msk [tilespmem:v42+s12+$0x0], $0xffff;
	v50 =	vadd.s32 v9, v30;
	[tilespmem:s26+$0x100] =	vst v60  }
0x21b: {  	v54 =	vadd.s32 v9, v32;
	v17 =	vld.idx.msk [tilespmem:v37+s12+$0x0], $0xffff;
	[tilespmem:s26+$0x120] =	vst v63  }
0x21c: {  	v44 =	vadd.s32 v5, v30;
	v16 =	vld.idx.msk [tilespmem:v59+s12+$0x0], $0xffff;
	[tilespmem:s26+$0x130] =	vst v34  }
0x21d: {  	v37 =	vld.idx.msk [tilespmem:v61+s12+$0x0], $0xffff;
	[tilespmem:s26+$0x160] =	vst v39  }
0x21e: {  	v47 =	vadd.s32 v7, v30;
	v51 =	vld.idx.msk [tilespmem:v45+s12+$0x0], $0xffff;
	[tilespmem:s26+$0x170] =	vst v41  }
0x21f: {  	v49 =	vadd.s32 v8, v30;
	[tilespmem:s26+$0xFFFFFD80] =	vst v43;
	v25 =	vld.idx.msk [tilespmem:v50+s12+$0x0], $0xffff  }
0x220: {  	v53 =	vadd.s32 v11, v30;
	[tilespmem:s26+$0xFFFFFD00] =	vst v17;
	v17 =	vld.idx.msk [tilespmem:v54+s12+$0x0], $0xffff  }
0x221: {  	v38 =	vadd.s32 v2, v30;
	[tilespmem:s26+$0x140] =	vst v16;
	v16 =	vld.idx.msk [tilespmem:v44+s12+$0x0], $0xffff  }
0x222: {  	v55 =	vadd.s32 v12, v30;
	[tilespmem:s26+$0xFFFFFD90] =	vst v26;
	v54 =	vld [tilespmem:s23+$0xFFFFFFD0]  }
0x223: {  	v58 =	vadd.s32 v14, v30;
	[tilespmem:s26+$0xFFFFFDB0] =	vst v46;
	v23 =	vld.idx.msk [tilespmem:v47+s12+$0x0], $0xffff  }
0x224: {  	v59 =	vadd.s32 v15, v30;
	[tilespmem:s26+$0xFFFFFDC0] =	vst v48;
	v56 =	vld.idx.msk [tilespmem:v49+s12+$0x0], $0xffff  }
0x225: {  	v57 =	vadd.s32 v13, v30;
	[tilespmem:s26+$0x150] =	vst v37;
	v18 =	vld.idx.msk [tilespmem:v53+s12+$0x0], $0xffff  }
0x226: {  	v52 =	vadd.s32 v10, v30;
	[tilespmem:s26+$0x110] =	vst v17;
	v17 =	vld.idx.msk [tilespmem:v38+s12+$0x0], $0xffff  }
0x227: {  	v61 =	vld.idx.msk [tilespmem:v55+s12+$0x0], $0xffff;
	[tilespmem:s26+$0xFFFFFDE0] =	vst v51;
	v60 =	vadd.s32 v0, v54  }
0x228: {  	v32 =	vld.idx.msk [tilespmem:v58+s12+$0x0], $0xffff;
	[tilespmem:s26+$0x190] =	vst v25;
	v62 =	vadd.s32 v1, v54  }
0x229: {  	v34 =	vld.idx.msk [tilespmem:v59+s12+$0x0], $0xffff;
	[tilespmem:s26+$0xFFFFFDD0] =	vst v16;
	v33 =	vadd.s32 v3, v54  }
0x22a: {  	v16 =	vld.idx.msk [tilespmem:v57+s12+$0x0], $0xffff;
	[tilespmem:s26+$0xFFFFFDF0] =	vst v23;
	v35 =	vadd.s32 v4, v54  }
0x22b: {  	v36 =	vadd.s32 v5, v54;
	[tilespmem:s26+$0xFFFFFDA0] =	vst v17;
	v17 =	vld.idx.msk [tilespmem:v52+s12+$0x0], $0xffff  }
0x22c: {  	[tilespmem:s26+$0x180] =	vst v56;
	v37 =	vadd.s32 v6, v54;
	v19 =	vld.idx.msk [tilespmem:v60+s12+$0x0], $0xffff  }
0x22d: {  	[tilespmem:s26+$0x1B0] =	vst v18;
	v39 =	vadd.s32 v7, v54;
	v24 =	vld.idx.msk [tilespmem:v62+s12+$0x0], $0xffff  }
0x22e: {  	[tilespmem:s26+$0x1C0] =	vst v61;
	v41 =	vadd.s32 v8, v54;
	v38 =	vld.idx.msk [tilespmem:v33+s12+$0x0], $0xffff  }
0x22f: {  	[tilespmem:s26+$0x1E0] =	vst v32;
	v44 =	vadd.s32 v10, v54;
	v40 =	vld.idx.msk [tilespmem:v35+s12+$0x0], $0xffff  }
0x230: {  	v45 =	vadd.s32 v11, v54;
	[tilespmem:s26+$0x1D0] =	vst v16;
	v16 =	vld.idx.msk [tilespmem:v36+s12+$0x0], $0xffff  }
0x231: {  	v63 =	vadd.s32 v2, v54;
	[tilespmem:s26+$0x1F0] =	vst v34;
	v43 =	vld.idx.msk [tilespmem:v37+s12+$0x0], $0xffff  }
0x232: {  	v49 =	vadd.s32 v13, v54;
	v46 =	vld.idx.msk [tilespmem:v39+s12+$0x0], $0xffff;
	[tilespmem:s26+$0x1A0] =	vst v17  }
0x233: {  	v50 =	vadd.s32 v14, v54;
	v48 =	vld.idx.msk [tilespmem:v41+s12+$0x0], $0xffff;
	[tilespmem:s26+$0xFFFFFE00] =	vst v19  }
0x234: {  	v57 =	vadd.s32 v2, v28;
	v51 =	vld.idx.msk [tilespmem:v44+s12+$0x0], $0xffff;
	[tilespmem:s26+$0xFFFFFE10] =	vst v24  }
0x235: {  	v61 =	vadd.s32 v4, v28;
	v53 =	vld.idx.msk [tilespmem:v45+s12+$0x0], $0xffff;
	[tilespmem:s26+$0xFFFFFE30] =	vst v38  }
0x236: {  	v42 =	vadd.s32 v9, v54;
	v17 =	vld.idx.msk [tilespmem:v63+s12+$0x0], $0xffff;
	[tilespmem:s26+$0xFFFFFE40] =	vst v40  }
0x237: {  	v30 =	vadd.s32 v6, v28;
	v56 =	vld.idx.msk [tilespmem:v49+s12+$0x0], $0xffff;
	[tilespmem:s26+$0xFFFFFE50] =	vst v16  }
0x238: {  	v58 =	vld.idx.msk [tilespmem:v50+s12+$0x0], $0xffff;
	[tilespmem:s26+$0xFFFFFE60] =	vst v43  }
0x239: {  	v47 =	vadd.s32 v12, v54;
	v31 =	vld.idx.msk [tilespmem:v57+s12+$0x0], $0xffff;
	[tilespmem:s26+$0xFFFFFE70] =	vst v46  }
0x23a: {  	v52 =	vadd.s32 v15, v54;
	v33 =	vld.idx.msk [tilespmem:v61+s12+$0x0], $0xffff;
	[tilespmem:s26+$0x200] =	vst v48  }
0x23b: {  	v54 =	vadd.s32 v0, v28;
	[tilespmem:s26+$0xFFFFFE20] =	vst v17;
	v17 =	vld.idx.msk [tilespmem:v42+s12+$0x0], $0xffff  }
0x23c: {  	v55 =	vadd.s32 v1, v28;
	v37 =	vld.idx.msk [tilespmem:v30+s12+$0x0], $0xffff;
	[tilespmem:s26+$0x220] =	vst v51  }
0x23d: {  	v62 =	vadd.s32 v5, v28;
	v39 =	vld [tilespmem:s23+$0xFFFFFFF0];
	[tilespmem:s26+$0x230] =	vst v53  }
0x23e: {  	v32 =	vadd.s32 v7, v28;
	v16 =	vld.idx.msk [tilespmem:v47+s12+$0x0], $0xffff;
	[tilespmem:s26+$0x250] =	vst v56  }
0x23f: {  	v59 =	vadd.s32 v3, v28;
	v60 =	vld.idx.msk [tilespmem:v52+s12+$0x0], $0xffff;
	[tilespmem:s26+$0x260] =	vst v58  }
0x240: {  	v41 =	vadd.s32 v12, v28;
	[tilespmem:s26+$0x210] =	vst v17;
	v17 =	vld.idx.msk [tilespmem:v54+s12+$0x0], $0xffff  }
0x241: {  	v44 =	vadd.s32 v14, v28;
	v63 =	vld.idx.msk [tilespmem:v55+s12+$0x0], $0xffff;
	[tilespmem:s26+$0xFFFFFEA0] =	vst v31  }
0x242: {  	v34 =	vadd.s32 v8, v28;
	v35 =	vld.idx.msk [tilespmem:v62+s12+$0x0], $0xffff;
	[tilespmem:s26+$0xFFFFFEC0] =	vst v33  }
0x243: {  	v38 =	vadd.s32 v10, v28;
	v40 =	vld.idx.msk [tilespmem:v32+s12+$0x0], $0xffff;
	[tilespmem:s26+$0xFFFFFEE0] =	vst v37  }
0x244: {  	v36 =	vadd.s32 v9, v28;
	[tilespmem:s26+$0x240] =	vst v16;
	v16 =	vld.idx.msk [tilespmem:v59+s12+$0x0], $0xffff  }
0x245: {  	v21 =	vld.idx.msk [tilespmem:v41+s12+$0x0], $0xffff;
	[tilespmem:s26+$0xFFFFFE80] =	vst v17;
	v17 =	vadd.s32 v11, v28  }
0x246: {  	v43 =	vadd.s32 v13, v28;
	v51 =	vld.idx.msk [tilespmem:v44+s12+$0x0], $0xffff;
	[tilespmem:s26+$0x270] =	vst v60  }
0x247: {  	v47 =	vadd.s32 v0, v39;
	[tilespmem:s26+$0xFFFFFE90] =	vst v63;
	v42 =	vld.idx.msk [tilespmem:v34+s12+$0x0], $0xffff  }
0x248: {  	v50 =	vadd.s32 v2, v39;
	v45 =	vld.idx.msk [tilespmem:v38+s12+$0x0], $0xffff;
	[tilespmem:s26+$0xFFFFFED0] =	vst v35  }
0x249: {  	v46 =	vadd.s32 v15, v28;
	[tilespmem:s26+$0xFFFFFEB0] =	vst v16;
	v16 =	vld.idx.msk [tilespmem:v36+s12+$0x0], $0xffff  }
0x24a: {  	v48 =	vadd.s32 v1, v39;
	[tilespmem:s26+$0xFFFFFEF0] =	vst v40;
	v17 =	vld.idx.msk [tilespmem:v17+s12+$0x0], $0xffff  }
0x24b: {  	v52 =	vadd.s32 v3, v39;
	v49 =	vld.idx.msk [tilespmem:v43+s12+$0x0], $0xffff;
	[tilespmem:s26+$0x2C0] =	vst v21  }
0x24c: {  	v53 =	vadd.s32 v4, v39;
	v19 =	vld.idx.msk [tilespmem:v47+s12+$0x0], $0xffff;
	[tilespmem:s26+$0x2E0] =	vst v51  }
0x24d: {  	v56 =	vld.idx.msk [tilespmem:v50+s12+$0x0], $0xffff;
	[tilespmem:s26+$0x280] =	vst v42  }
0x24e: {  	v54 =	vadd.s32 v5, v39;
	[tilespmem:s26+$0x290] =	vst v16;
	v16 =	vld.idx.msk [tilespmem:v46+s12+$0x0], $0xffff  }
0x24f: {  	v55 =	vadd.s32 v6, v39;
	[tilespmem:s26+$0x2B0] =	vst v17;
	v17 =	vld.idx.msk [tilespmem:v48+s12+$0x0], $0xffff  }
0x250: {  	v58 =	vadd.s32 v7, v39;
	v57 =	vld.idx.msk [tilespmem:v52+s12+$0x0], $0xffff;
	[tilespmem:s26+$0x2A0] =	vst v45  }
0x251: {  	v61 =	vadd.s32 v9, v39;
	v59 =	vld.idx.msk [tilespmem:v53+s12+$0x0], $0xffff;
	[tilespmem:s26+$0x2D0] =	vst v49  }
0x252: {  	v30 =	vadd.s32 v12, v39;
	[tilespmem:s26+$0xFFFFFF00] =	vst v19;
	v28 =	vld [tilespmem:s23+$0x0]  }
0x253: {  	v63 =	vadd.s32 v10, v39;
	[tilespmem:s26+$0x2F0] =	vst v16;
	v16 =	vld.idx.msk [tilespmem:v54+s12+$0x0], $0xffff  }
0x254: {  	v62 =	vld.idx.msk [tilespmem:v55+s12+$0x0], $0xffff;
	[tilespmem:s26+$0xFFFFFF10] =	vst v17;
	v17 =	vadd.s32 v11, v39  }
0x255: {  	v60 =	vadd.s32 v8, v39;
	v29 =	vld.idx.msk [tilespmem:v58+s12+$0x0], $0xffff;
	[tilespmem:s26+$0xFFFFFF20] =	vst v56  }
0x256: {  	v33 =	vld.idx.msk [tilespmem:v61+s12+$0x0], $0xffff;
	v34 =	vadd.s32 v14, v39;
	[tilespmem:s26+$0xFFFFFF30] =	vst v57  }
0x257: {  	v37 =	vld.idx.msk [tilespmem:v30+s12+$0x0], $0xffff;
	[tilespmem:s26+$0xFFFFFF40] =	vst v59;
	v38 =	vadd.s32 v1, v28  }
0x258: {  	v35 =	vadd.s32 v15, v39;
	[tilespmem:s26+$0xFFFFFF50] =	vst v16;
	v16 =	vld.idx.msk [tilespmem:v63+s12+$0x0], $0xffff  }
0x259: {  	[tilespmem:s26+$0xFFFFFF60] =	vst v62;
	v36 =	vadd.s32 v0, v28;
	v17 =	vld.idx.msk [tilespmem:v17+s12+$0x0], $0xffff  }
0x25a: {  	v31 =	vld.idx.msk [tilespmem:v60+s12+$0x0], $0xffff;
	[tilespmem:s26+$0xFFFFFF70] =	vst v29;
	v40 =	vadd.s32 v2, v28  }
0x25b: {  	[tilespmem:s26+$0x310] =	vst v33;
	v41 =	vld.idx.msk [tilespmem:v34+s12+$0x0], $0xffff;
	v42 =	vadd.s32 v3, v28  }
0x25c: {  	[tilespmem:s26+$0x340] =	vst v37;
	v46 =	vadd.s32 v6, v28;
	v45 =	vld.idx.msk [tilespmem:v38+s12+$0x0], $0xffff  }
0x25d: {  	v43 =	vadd.s32 v4, v28;
	[tilespmem:s26+$0x320] =	vst v16;
	v16 =	vld.idx.msk [tilespmem:v35+s12+$0x0], $0xffff  }
0x25e: {  	v44 =	vadd.s32 v5, v28;
	[tilespmem:s26+$0x330] =	vst v17;
	v17 =	vld.idx.msk [tilespmem:v36+s12+$0x0], $0xffff  }
0x25f: {  	[tilespmem:s26+$0x300] =	vst v31;
	v50 =	vadd.s32 v8, v28;
	v47 =	vld.idx.msk [tilespmem:v40+s12+$0x0], $0xffff  }
0x260: {  	[tilespmem:s26+$0x360] =	vst v41;
	v54 =	vadd.s32 v11, v28;
	v49 =	vld.idx.msk [tilespmem:v42+s12+$0x0], $0xffff  }
0x261: {  	v56 =	vadd.s32 v12, v28;
	v53 =	vld.idx.msk [tilespmem:v46+s12+$0x0], $0xffff;
	[tilespmem:s26+$0xFFFFFF90] =	vst v45  }
0x262: {  	v51 =	vadd.s32 v9, v28;
	[tilespmem:s26+$0x370] =	vst v16;
	v16 =	vld.idx.msk [tilespmem:v43+s12+$0x0], $0xffff  }
0x263: {  	v52 =	vadd.s32 v10, v28;
	[tilespmem:s26+$0xFFFFFF80] =	vst v17;
	v17 =	vld.idx.msk [tilespmem:v44+s12+$0x0], $0xffff  }
0x264: {  	v58 =	vadd.s32 v13, v28;
	v57 =	vld.idx.msk [tilespmem:v50+s12+$0x0], $0xffff;
	[tilespmem:s26+$0xFFFFFFA0] =	vst v47  }
0x265: {  	v32 =	vadd.s32 v13, v39;
	v61 =	vld.idx.msk [tilespmem:v54+s12+$0x0], $0xffff;
	[tilespmem:s26+$0xFFFFFFB0] =	vst v49  }
0x266: {  	v48 =	vadd.s32 v7, v28;
	v62 =	vld.idx.msk [tilespmem:v56+s12+$0x0], $0xffff;
	[tilespmem:s26+$0xFFFFFFE0] =	vst v53  }
0x267: {  	v59 =	vadd.s32 v14, v28;
	[tilespmem:s26+$0xFFFFFFC0] =	vst v16;
	v16 =	vld.idx.msk [tilespmem:v51+s12+$0x0], $0xffff  }
0x268: {  	v60 =	vadd.s32 v15, v28;
	[tilespmem:s26+$0xFFFFFFD0] =	vst v17;
	v17 =	vld.idx.msk [tilespmem:v52+s12+$0x0], $0xffff  }
0x269: {  	v63 =	vld.idx.msk [tilespmem:v58+s12+$0x0], $0xffff;
	[tilespmem:s26+$0x380] =	vst v57  }
0x26a: {  	v39 =	vld.idx.msk [tilespmem:v32+s12+$0x0], $0xffff;
	[tilespmem:s26+$0x3B0] =	vst v61  }
0x26b: {  	v55 =	vld.idx.msk [tilespmem:v48+s12+$0x0], $0xffff;
	[tilespmem:s26+$0x3C0] =	vst v62  }
0x26c: {  	s25 =	sadd.s32 $0x8, s25;
	[tilespmem:s26+$0x390] =	vst v16;
	v16 =	vld.idx.msk [tilespmem:v59+s12+$0x0], $0xffff  }
0x26d: {  	p0 =	slt.u32 s25, $0x38;
	[tilespmem:s26+$0x3A0] =	vst v17;
	v17 =	vld.idx.msk [tilespmem:v60+s12+$0x0], $0xffff  }
.Ltmp3:
0x26e: {  	[tilespmem:s26+$0x3D0] =	vst v63;
	(pc) =	sbr.rel @p0 .LBB2_9-.Ltmp3, $4  }
0x26f: {  	[tilespmem:s26+$0x350] =	vst v39  }
0x270: {  	[tilespmem:s26+$0xFFFFFFF0] =	vst v55  }
0x271: {  	[tilespmem:s26+$0x3E0] =	vst v16  }
0x272: {  	s23 =	sadd.s32 $0x80, s23;
	[tilespmem:s26+$0x3F0] =	vst v17;
	s26 =	sadd.s32 $0x800, s26  }
0x273: {  	s22 =	sadd.s32 $0x1, s22  }
0x274: {  	p0 =	sne.s32 s22, $0x10  }
.Ltmp4:
0x275: {  	s23 =	sshll.u32 s24, $0xF;
	(pc) =	sbr.rel @p0 .LBB2_6-.Ltmp4, $4  }
0x276: {  	s23 =	sadd.s32 s5, s23  }
0x277: {  	s23 =	sshrl.u32 s23, $0x3  }
0x278: {  	s20 =	sadd.s32 $0x1, s20;
	s21 =	sadd.s32 $0x2, s21;
	s23 =	sadd.s32 s2, s23  }
0x279: {  	[hbm4b:s23+s14] =	stream.strided.scatter [tilespmem:s17], [sflag:$0x2], $0x4000, s15, s14, $0x38;
	[tilespmem:$0x1C000] =	vst v63  }
0x27a: {  	s19 =	sadd.s32 $0x1, s19  }
0x27b: {  	_ =	swait.ge [sflag:s18], $0x4000;
	p0 =	sne.s32 s19, s11  }
.Ltmp5:
0x27c: {  	[sflag:s18] =	ssyncset.done $0x0;
	(pc) =	sbr.rel @p0 .LBB2_1-.Ltmp5, $4  }
0x27d: {  	[sflag:s18] =	ssyncadd.s32 $0xFFFFC000  }
0x27e: {  	_ =	swait.ge [sflag:s18], $0x4000  }
0x27f: {  	[sflag:s18] =	ssyncset.done $0x0  }
0x280: {  	[sflag:s18] =	ssyncadd.s32 $0xFFFFC000  }
0x281: {  	_ =	sfence.sel $0x180000  }
0x282: {  	[bflag:$0x0] =	sbarrier.arrive $0xFFFF  }
0x283: {  	p0 =	sne.s32 s0, $0x0;
	_ =	strace $0x90000047  }
0x284: {  	s0 =	sadd.s32 @!p0 $0x100000, s1;
	[bflag:$0x2] =	sbarrier.arrive $0xFFFF  }
0x285: {  	[sflag:s0] =	ssyncadd.tile.s32 @!p0 $0x1;
	_ =	shalt  }
.Lfunc_end2:
_tile_overlayer_lowered:
.L_overlay_start_2:
0x286: {  	(tag) =	ssettag $0x2  }
0x287: {  	s0 =	rddreg [dreg:$0x0];
	s2 =	stileid.u32  }
0x288: {  	s1 =	rddreg [dreg:$0x1];
	p0 =	sne.s32 s2, $0x0  }
0x289: {  	s3 =	rddreg [dreg:$0x2];
	[bflag:$0x3] =	sbarrier.arrive $0xFFFF;
	s2 =	simm.s32 @!p0 $0x1C03  }
0x28a: {  	[timem:s3], [sflag:s2] =	dma.local @!p0 [hbm:s0], s1  }
0x28b: {  	s0 =	simm.s32 @!p0 $0x3  }
0x28c: {  	_ =	swait.ge @!p0 [sflag:s0], s1  }
0x28d: {  	s1 =	ssub.s32 @!p0 $0x0, s1;
	[sflag:s0] =	ssyncset.done @!p0 $0x0  }
0x28e: {  	[sflag:s0] =	ssyncadd.s32 @!p0 s1  }
0x28f: {  	[bflag:$0x3] =	sbarrier.arrive $0xFFFF  }
0x290: {  	_ =	shalt  }

</sc_bundles>
